<compile_context>
chip_gen: v7x
topology: tpu7x:2x2x1
jax: 0.10.2.dev20260603
libtpu: 0.0.44.dev20260713+nightly
codegen_flags: <defaults>
</compile_context>

<pallas_src>
import functools

import jax
import jax.numpy as jnp
from jax import lax
from jax.experimental import pallas as pl
from jax.experimental.pallas import tpu as pltpu
from jax.experimental.pallas import tpu_sc as plsc

_NUM_DENSE = 1024
_IFEAT = 64
_ICTX = 16
_HID = 128
_SPD = 32

_NC = 2
_NS = 16
_NW = _NC * _NS
_LANES = 16
_CH = 128


def _sc_gather_call(tokens3, if_pad, sp_pad, ic2, n, spread):
    pw = n // _NW
    nch = pw // _CH
    ng = nch // 2

    mesh = plsc.VectorSubcoreMesh(core_axis_name="c", subcore_axis_name="s")

    @functools.partial(
        pl.kernel,
        mesh=mesh,
        compiler_params=pltpu.CompilerParams(use_tc_tiling_on_sc=False),
        out_type=jax.ShapeDtypeStruct((n, _HID), jnp.float32),
        scratch_types=[
            pltpu.VMEM((nch, _CH), jnp.int32),
            pltpu.VMEM((nch, _CH), jnp.int32),
            pltpu.VMEM((_CH, _IFEAT), jnp.float32),
            pltpu.VMEM((_CH, _SPD), jnp.float32),
            pltpu.VMEM((_CH, _ICTX), jnp.float32),
            pltpu.VMEM((_CH, _IFEAT), jnp.float32),
            pltpu.VMEM((_CH, _SPD), jnp.float32),
            pltpu.VMEM((_CH, _ICTX), jnp.float32),
            pltpu.SemaphoreType.DMA,
            pltpu.SemaphoreType.DMA,
            pltpu.SemaphoreType.DMA,
            pltpu.SemaphoreType.DMA,
        ],
    )
    def sc_gather(tok_hbm, if_hbm, sp_hbm, ic_hbm,
                  pk_out,
                  tokall, spiall,
                  ifr0, spr0, icr0, ifr1, spr1, icr1,
                  gsem0, gsem1, ssem0, ssem1):
        wid = lax.axis_index("s") * _NC + lax.axis_index("c")
        base = wid * pw

        pltpu.sync_copy(tok_hbm.at[wid], tokall)

        def idx_chunk(c, carry):
            for i in range(_CH // _LANES):
                sl = pl.ds(i * _LANES, _LANES)
                t = tokall[c, sl]
                spiall[c, sl] = jnp.where(t > _NUM_DENSE, t - _NUM_DENSE,
                                          t + spread)
            return carry

        lax.fori_loop(0, nch, idx_chunk, 0)

        def fire(c, ifr, spr, icr, gsem):
            off = base + c * _CH
            pltpu.async_copy(if_hbm.at[tokall.at[c]], ifr, gsem)
            pltpu.async_copy(sp_hbm.at[spiall.at[c]], spr, gsem)
            pltpu.async_copy(ic_hbm.at[pl.ds(off, _CH)], icr, gsem)

        def wait_gathers(c, ifr, spr, icr, gsem):
            off = base + c * _CH
            pltpu.make_async_copy(if_hbm.at[tokall.at[c]], ifr, gsem).wait()
            pltpu.make_async_copy(sp_hbm.at[spiall.at[c]], spr, gsem).wait()
            pltpu.make_async_copy(ic_hbm.at[pl.ds(off, _CH)], icr, gsem).wait()

        def fire_scatters(c, ifr, spr, icr, ssem):
            off = base + c * _CH
            rows = pl.ds(off, _CH)
            pltpu.async_copy(ifr, pk_out.at[rows, pl.ds(0, _IFEAT)], ssem)
            pltpu.async_copy(spr, pk_out.at[rows, pl.ds(_IFEAT, _SPD)], ssem)
            pltpu.async_copy(icr, pk_out.at[rows, pl.ds(96, _ICTX)], ssem)
            pltpu.async_copy(icr, pk_out.at[rows, pl.ds(112, _ICTX)], ssem)

        def wait_scatters(c, ifr, spr, icr, ssem):
            off = base + c * _CH
            rows = pl.ds(off, _CH)
            pltpu.make_async_copy(ifr, pk_out.at[rows, pl.ds(0, _IFEAT)],
                                  ssem).wait()
            pltpu.make_async_copy(spr, pk_out.at[rows, pl.ds(_IFEAT, _SPD)],
                                  ssem).wait()
            pltpu.make_async_copy(icr, pk_out.at[rows, pl.ds(96, _ICTX)],
                                  ssem).wait()
            pltpu.make_async_copy(icr, pk_out.at[rows, pl.ds(112, _ICTX)],
                                  ssem).wait()

        fire(0, ifr0, spr0, icr0, gsem0)
        fire(1, ifr1, spr1, icr1, gsem1)

        def group(g, carry):
            c0 = 2 * g
            c1 = c0 + 1
            wait_gathers(c0, ifr0, spr0, icr0, gsem0)
            fire_scatters(c0, ifr0, spr0, icr0, ssem0)
            wait_gathers(c1, ifr1, spr1, icr1, gsem1)
            fire_scatters(c1, ifr1, spr1, icr1, ssem1)

            @pl.when(g + 1 < ng)
            def _():
                wait_scatters(c0, ifr0, spr0, icr0, ssem0)
                fire(c0 + 2, ifr0, spr0, icr0, gsem0)
                wait_scatters(c1, ifr1, spr1, icr1, ssem1)
                fire(c1 + 2, ifr1, spr1, icr1, gsem1)

            return carry

        lax.fori_loop(0, ng, group, 0)

        wait_scatters(nch - 2, ifr0, spr0, icr0, ssem0)
        wait_scatters(nch - 1, ifr1, spr1, icr1, ssem1)

    return sc_gather(tokens3, if_pad, sp_pad, ic2)


def _tc_body(pk_ref, tk_ref,
             wif_ref, wspx_ref, d1_ref, be_ref, out_ref):
    dot = functools.partial(jnp.dot, preferred_element_type=jnp.float32)
    tok = tk_ref[...]
    pk = pk_ref[...]
    acc = dot(pk, wif_ref[...])
    spw = dot(pk, wspx_ref[...])
    dni = jnp.where(tok > _NUM_DENSE, -1, tok)
    rows = lax.broadcasted_iota(jnp.int32, (1, d1_ref.shape[0]), 1)
    onehot = (dni == rows).astype(jnp.float32)
    dnc = jnp.dot(onehot, d1_ref[...],
                  preferred_element_type=jnp.float32)
    tv = jnp.where(tok > _NUM_DENSE, spw, dnc)
    v = acc + tv + be_ref[...]
    s = jnp.sum(v * v, axis=1, keepdims=True)
    nrm = jnp.maximum(jnp.sqrt(s), 1e-12)
    out_ref[...] = v / nrm


def _tc_call(pk_g, tk2, wif, wspx, d1, beff, n):
    t = 512
    g = n // t
    rtab = d1.shape[0]
    const = lambda shape: pl.BlockSpec(shape, lambda i: (0, 0))
    row = lambda d: pl.BlockSpec((t, d), lambda i: (i, 0))
    return pl.pallas_call(
        _tc_body,
        grid=(g,),
        in_specs=[
            row(_HID), row(1),
            const((_HID, _HID)),
            const((_HID, _HID)), const((rtab, _HID)), const((1, _HID)),
        ],
        out_specs=row(_HID),
        out_shape=jax.ShapeDtypeStruct((n, _HID), jnp.float32),
    )(pk_g, tk2, wif, wspx, d1, beff)


def kernel(tokens, icontexts, ifeatures, dense_table, sparse_table,
           W_up, W_ac, b_ac, W_item, b_item):
    b, l = tokens.shape
    n = b * l
    pw = n // _NW
    nch = pw // _CH
    sparse_rows = sparse_table.shape[0]
    spread = sparse_rows - 1 - _NUM_DENSE

    w1 = W_item[:_HID]
    w2 = W_item[_HID:]
    wc = W_ac @ w2
    beff = (b_item + b_ac @ w2).reshape(1, _HID)
    z32 = jnp.zeros((_SPD, _HID), jnp.float32)
    z16 = jnp.zeros((_ICTX, _HID), jnp.float32)
    wif = jnp.concatenate([wc[:_IFEAT], z32, wc[_IFEAT:], z16], axis=0)
    wspx = jnp.pad(W_up @ w1, ((_IFEAT, _HID - _IFEAT - _SPD), (0, 0)))
    d1 = dense_table @ w1

    tokens_flat = tokens.reshape(n).astype(jnp.int32)
    tokens3 = tokens_flat.reshape(_NW, nch, _CH)
    pk_g = _sc_gather_call(tokens3, ifeatures, sparse_table,
                           icontexts.reshape(n, _ICTX), n, spread)
    out = _tc_call(pk_g, tokens_flat.reshape(n, 1), wif, wspx, d1, beff, n)
    return out.reshape(b, l, _HID)

# --- scband reference (transcript-rebuilt; emitter-appended) ---
"""Pipeline reference for scband-mixdim-item-encoder-21165598835251 (READ-ONLY COPY).

The authoritative reference and input builder live on the scoring server;
editing this copy changes nothing except your own understanding.
"""

import jax, jax.numpy as jnp
import numpy as np

NUM_ITEMS = 1000000
NUM_DENSE = 1024
IFEAT = 64
ICTX = 16
HID = 128
SPD = 32
B = 4096
L = 50


def setup_inputs(seed: int = 0) -> dict:
    key = jax.random.key(seed)
    ks = jax.random.split(key, 10)
    tokens = jax.random.randint(ks[0], (B, L), 0, NUM_ITEMS)
    icontexts = jax.random.normal(ks[1], (B, L, ICTX), dtype=jnp.float32)
    ifeatures = jax.random.normal(ks[2], (NUM_ITEMS, IFEAT), dtype=jnp.float32) * 0.1
    dense_table = jax.random.normal(ks[3], (NUM_DENSE + 1, HID), dtype=jnp.float32) * 0.02
    sparse_table = jax.random.normal(ks[4], (NUM_ITEMS - NUM_DENSE + 1, SPD), dtype=jnp.float32) * 0.02
    W_up = jax.random.normal(ks[5], (SPD, HID), dtype=jnp.float32) * (1.0 / np.sqrt(SPD))
    W_ac = jax.random.normal(ks[6], (IFEAT + ICTX, HID * 4), dtype=jnp.float32) * (1.0 / np.sqrt(IFEAT + ICTX))
    b_ac = jnp.zeros((HID * 4,), dtype=jnp.float32)
    W_item = jax.random.normal(ks[7], (HID + HID * 4, HID), dtype=jnp.float32) * (1.0 / np.sqrt(HID * 5))
    b_item = jnp.zeros((HID,), dtype=jnp.float32)
    return {"tokens": tokens, "icontexts": icontexts, "ifeatures": ifeatures,
            "dense_table": dense_table, "sparse_table": sparse_table,
            "W_up": W_up, "W_ac": W_ac, "b_ac": b_ac, "W_item": W_item, "b_item": b_item}


def reference(tokens, icontexts, ifeatures, dense_table, sparse_table, W_up, W_ac, b_ac, W_item, b_item):
    # frozen ifeature cache lookup
    ifeat = jnp.take(ifeatures, tokens, axis=0)              # [B, L, IFEAT]
    ac = jnp.concatenate([ifeat, icontexts], axis=-1)        # [B, L, IFEAT+ICTX]
    ac_vector = ac @ W_ac + b_ac                              # [B, L, 4*HID]
    # dense path: tokens > num_dense_item are zeroed
    dense_tokens = jnp.where(tokens > NUM_DENSE, 0, tokens)
    dense_token_vector = jnp.take(dense_table, dense_tokens, axis=0)  # [B, L, HID]
    # sparse path: shift, clamp non-positive to 0
    sparse_tokens = tokens - NUM_DENSE
    sparse_tokens = jnp.where(sparse_tokens <= 0, 0, sparse_tokens)
    sparse_token_vector = jnp.take(sparse_table, sparse_tokens, axis=0) @ W_up  # [B, L, HID]
    # overwrite dense vector where sparse token is active
    mask = (sparse_tokens != 0)[..., None]
    token_vector = jnp.where(mask, sparse_token_vector, dense_token_vector)
    vector = jnp.concatenate([token_vector, ac_vector], axis=-1) @ W_item + b_item  # [B, L, HID]
    # F.normalize(p=2, dim=-1) with eps=1e-12
    norm = jnp.linalg.norm(vector, axis=-1, keepdims=True)
    vector = vector / jnp.maximum(norm, 1e-12)
    return vector

if __name__ == "__main__":
    import jax
    _d = setup_inputs()
    print(jax.jit(kernel)(*tuple(_d.values())))

</pallas_src>

<mosaic_0001>
#map = affine_map<(d0, d1) -> (0, 0, 0)>
#map1 = affine_map<(d0, d1) -> (0, 0)>
module attributes {stable_mosaic.version = 14 : i64} {
  func.func @sc_gather(%arg0: i32, %arg1: i32, %arg2: memref<32x50x128xi32, #tpu.memory_space<hbm>>, %arg3: memref<1000000x64xf32, #tpu.memory_space<hbm>>, %arg4: memref<998977x32xf32, #tpu.memory_space<hbm>>, %arg5: memref<204800x16xf32, #tpu.memory_space<hbm>>, %arg6: memref<204800x128xf32, #tpu.memory_space<hbm>>, %arg7: memref<50x128xi32, #tpu.memory_space<vmem>>, %arg8: memref<50x128xi32, #tpu.memory_space<vmem>>, %arg9: memref<128x64xf32, #tpu.memory_space<vmem>>, %arg10: memref<128x32xf32, #tpu.memory_space<vmem>>, %arg11: memref<128x16xf32, #tpu.memory_space<vmem>>, %arg12: memref<128x64xf32, #tpu.memory_space<vmem>>, %arg13: memref<128x32xf32, #tpu.memory_space<vmem>>, %arg14: memref<128x16xf32, #tpu.memory_space<vmem>>, %arg15: memref<!tpu.dma_semaphore, #tpu.memory_space<semaphore_mem>>, %arg16: memref<!tpu.dma_semaphore, #tpu.memory_space<semaphore_mem>>, %arg17: memref<!tpu.dma_semaphore, #tpu.memory_space<semaphore_mem>>, %arg18: memref<!tpu.dma_semaphore, #tpu.memory_space<semaphore_mem>>) attributes {dimension_semantics = [#tpu.dimension_semantics<core_parallel>, #tpu.dimension_semantics<subcore_parallel>], iteration_bounds = array<i64: 2, 16>, scalar_prefetch = 0 : i64, scratch_operands = 12 : i64, tpu.core_type = #tpu.core_type<sc_vector_subcore>, window_params = [{transform_indices = #map}, {transform_indices = #map1}, {transform_indices = #map1}, {transform_indices = #map1}, {transform_indices = #map1}]} {
    %mul3A = arith.constant 2 : i32
    %mul3A_0 = arith.muli %arg1, %mul3A : i32
    %add3A = arith.addi %mul3A_0, %arg0 : i32
    %mul3A_1 = arith.constant 6400 : i32
    %mul3A_2 = arith.muli %add3A, %mul3A_1 : i32
    "tpu.region"() ({
      %run_scoped3A = tpu.sem_alloc : memref<!tpu.dma_semaphore, #tpu.memory_space<semaphore_mem>>
      %dma_start3A_88 = arith.constant 0 : i32
      %dma_start3A_89 = arith.constant 0 : i32
      %dma_start3A_90 = tpu.memref_slice %arg2[%add3A, %dma_start3A_88, %dma_start3A_89] : memref<32x50x128xi32, #tpu.memory_space<hbm>> -> memref<1x50x128xi32, #tpu.memory_space<hbm>>
      %dma_start3A_91 = tpu.memref_squeeze %dma_start3A_90 : memref<1x50x128xi32, #tpu.memory_space<hbm>> -> memref<50x128xi32, #tpu.memory_space<hbm>>
      %dma_start3A_92 = arith.constant 0 : i32
      %dma_start3A_93 = arith.constant 0 : i32
      %dma_start3A_94 = tpu.memref_slice %arg2[%add3A, %dma_start3A_92, %dma_start3A_93] : memref<32x50x128xi32, #tpu.memory_space<hbm>> -> memref<1x50x128xi32, #tpu.memory_space<hbm>>
      %dma_start3A_95 = tpu.memref_squeeze %dma_start3A_94 : memref<1x50x128xi32, #tpu.memory_space<hbm>> -> memref<50x128xi32, #tpu.memory_space<hbm>>
      tpu.enqueue_dma source(%dma_start3A_95 : memref<50x128xi32, #tpu.memory_space<hbm>>) target(%arg7 : memref<50x128xi32, #tpu.memory_space<vmem>>) target_semaphore(%run_scoped3A : memref<!tpu.dma_semaphore, #tpu.memory_space<semaphore_mem>>)
      %dma_wait3A_96 = arith.constant 0 : i32
      %dma_wait3A_97 = arith.constant 0 : i32
      %dma_wait3A_98 = tpu.memref_slice %arg2[%add3A, %dma_wait3A_96, %dma_wait3A_97] : memref<32x50x128xi32, #tpu.memory_space<hbm>> -> memref<1x50x128xi32, #tpu.memory_space<hbm>>
      %dma_wait3A_99 = tpu.memref_squeeze %dma_wait3A_98 : memref<1x50x128xi32, #tpu.memory_space<hbm>> -> memref<50x128xi32, #tpu.memory_space<hbm>>
      %dma_wait3A_100 = arith.constant 0 : i32
      %dma_wait3A_101 = arith.constant 0 : i32
      %dma_wait3A_102 = tpu.memref_slice %arg2[%add3A, %dma_wait3A_100, %dma_wait3A_101] : memref<32x50x128xi32, #tpu.memory_space<hbm>> -> memref<1x50x128xi32, #tpu.memory_space<hbm>>
      %dma_wait3A_103 = tpu.memref_squeeze %dma_wait3A_102 : memref<1x50x128xi32, #tpu.memory_space<hbm>> -> memref<50x128xi32, #tpu.memory_space<hbm>>
      tpu.wait_dma2 semaphore(%run_scoped3A : memref<!tpu.dma_semaphore, #tpu.memory_space<semaphore_mem>>) src(%dma_wait3A_103 : memref<50x128xi32, #tpu.memory_space<hbm>>) dst(%arg7 : memref<50x128xi32, #tpu.memory_space<vmem>>)
      tpu.yield
    }) : () -> ()
    %scan3A = arith.constant 0 : i32
    %scan3A_3 = arith.constant 0 : i32
    %scan3A_4 = arith.constant 50 : i32
    %scan3A_5 = arith.addi %scan3A_3, %scan3A_4 : i32
    %scan3A_6 = arith.constant 1 : i32
    scf.for %scan3A_88 = %scan3A_3 to %scan3A_5 step %scan3A_6  : i32 {
      %get3A = arith.index_cast %scan3A_88 : i32 to index
      %get3A_89 = arith.constant 0 : index
      %get3A_90 = tpu.vector_load %arg7[%get3A, %get3A_89] {strides = array<i32>} : memref<50x128xi32, #tpu.memory_space<vmem>>, vector<1x16xi32>,
      %get3A_91 = vector.shape_cast %get3A_90 : vector<1x16xi32> to vector<16xi32>
      %gt3A = arith.constant 1024 : i32
      %gt3A_92 = vector.broadcast %gt3A : i32 to vector<16xi32>
      %gt3A_93 = arith.cmpi sgt, %get3A_91, %gt3A_92 : vector<16xi32>
      %sub3A = arith.constant 1024 : i32
      %sub3A_94 = vector.broadcast %sub3A : i32 to vector<16xi32>
      %sub3A_95 = arith.subi %get3A_91, %sub3A_94 : vector<16xi32>
      %add3A_96 = arith.constant 997952 : i32
      %add3A_97 = vector.broadcast %add3A_96 : i32 to vector<16xi32>
      %add3A_98 = arith.addi %get3A_91, %add3A_97 : vector<16xi32>
      %select_n3A = arith.select %gt3A_93, %sub3A_95, %add3A_98 : vector<16xi1>, vector<16xi32>
      %swap3A = arith.index_cast %scan3A_88 : i32 to index
      %swap3A_99 = arith.constant 0 : index
      %swap3A_100 = tpu.vector_load %arg8[%swap3A, %swap3A_99] {strides = array<i32>} : memref<50x128xi32, #tpu.memory_space<vmem>>, vector<1x16xi32>,
      %swap3A_101 = vector.shape_cast %swap3A_100 : vector<1x16xi32> to vector<16xi32>
      %swap3A_102 = vector.shape_cast %select_n3A : vector<16xi32> to vector<1x16xi32>
      tpu.vector_store %arg8[%swap3A, %swap3A_99], %swap3A_102 {strides = array<i32>} : memref<50x128xi32, #tpu.memory_space<vmem>>, vector<1x16xi32>,
      %get3A_103 = arith.index_cast %scan3A_88 : i32 to index
      %get3A_104 = arith.constant 16 : index
      %get3A_105 = tpu.vector_load %arg7[%get3A_103, %get3A_104] {strides = array<i32>} : memref<50x128xi32, #tpu.memory_space<vmem>>, vector<1x16xi32>,
      %get3A_106 = vector.shape_cast %get3A_105 : vector<1x16xi32> to vector<16xi32>
      %gt3A_107 = arith.constant 1024 : i32
      %gt3A_108 = vector.broadcast %gt3A_107 : i32 to vector<16xi32>
      %gt3A_109 = arith.cmpi sgt, %get3A_106, %gt3A_108 : vector<16xi32>
      %sub3A_110 = arith.constant 1024 : i32
      %sub3A_111 = vector.broadcast %sub3A_110 : i32 to vector<16xi32>
      %sub3A_112 = arith.subi %get3A_106, %sub3A_111 : vector<16xi32>
      %add3A_113 = arith.constant 997952 : i32
      %add3A_114 = vector.broadcast %add3A_113 : i32 to vector<16xi32>
      %add3A_115 = arith.addi %get3A_106, %add3A_114 : vector<16xi32>
      %select_n3A_116 = arith.select %gt3A_109, %sub3A_112, %add3A_115 : vector<16xi1>, vector<16xi32>
      %swap3A_117 = arith.index_cast %scan3A_88 : i32 to index
      %swap3A_118 = arith.constant 16 : index
      %swap3A_119 = tpu.vector_load %arg8[%swap3A_117, %swap3A_118] {strides = array<i32>} : memref<50x128xi32, #tpu.memory_space<vmem>>, vector<1x16xi32>,
      %swap3A_120 = vector.shape_cast %swap3A_119 : vector<1x16xi32> to vector<16xi32>
      %swap3A_121 = vector.shape_cast %select_n3A_116 : vector<16xi32> to vector<1x16xi32>
      tpu.vector_store %arg8[%swap3A_117, %swap3A_118], %swap3A_121 {strides = array<i32>} : memref<50x128xi32, #tpu.memory_space<vmem>>, vector<1x16xi32>,
      %get3A_122 = arith.index_cast %scan3A_88 : i32 to index
      %get3A_123 = arith.constant 32 : index
      %get3A_124 = tpu.vector_load %arg7[%get3A_122, %get3A_123] {strides = array<i32>} : memref<50x128xi32, #tpu.memory_space<vmem>>, vector<1x16xi32>,
      %get3A_125 = vector.shape_cast %get3A_124 : vector<1x16xi32> to vector<16xi32>
      %gt3A_126 = arith.constant 1024 : i32
      %gt3A_127 = vector.broadcast %gt3A_126 : i32 to vector<16xi32>
      %gt3A_128 = arith.cmpi sgt, %get3A_125, %gt3A_127 : vector<16xi32>
      %sub3A_129 = arith.constant 1024 : i32
      %sub3A_130 = vector.broadcast %sub3A_129 : i32 to vector<16xi32>
      %sub3A_131 = arith.subi %get3A_125, %sub3A_130 : vector<16xi32>
      %add3A_132 = arith.constant 997952 : i32
      %add3A_133 = vector.broadcast %add3A_132 : i32 to vector<16xi32>
      %add3A_134 = arith.addi %get3A_125, %add3A_133 : vector<16xi32>
      %select_n3A_135 = arith.select %gt3A_128, %sub3A_131, %add3A_134 : vector<16xi1>, vector<16xi32>
      %swap3A_136 = arith.index_cast %scan3A_88 : i32 to index
      %swap3A_137 = arith.constant 32 : index
      %swap3A_138 = tpu.vector_load %arg8[%swap3A_136, %swap3A_137] {strides = array<i32>} : memref<50x128xi32, #tpu.memory_space<vmem>>, vector<1x16xi32>,
      %swap3A_139 = vector.shape_cast %swap3A_138 : vector<1x16xi32> to vector<16xi32>
      %swap3A_140 = vector.shape_cast %select_n3A_135 : vector<16xi32> to vector<1x16xi32>
      tpu.vector_store %arg8[%swap3A_136, %swap3A_137], %swap3A_140 {strides = array<i32>} : memref<50x128xi32, #tpu.memory_space<vmem>>, vector<1x16xi32>,
      %get3A_141 = arith.index_cast %scan3A_88 : i32 to index
      %get3A_142 = arith.constant 48 : index
      %get3A_143 = tpu.vector_load %arg7[%get3A_141, %get3A_142] {strides = array<i32>} : memref<50x128xi32, #tpu.memory_space<vmem>>, vector<1x16xi32>,
      %get3A_144 = vector.shape_cast %get3A_143 : vector<1x16xi32> to vector<16xi32>
      %gt3A_145 = arith.constant 1024 : i32
      %gt3A_146 = vector.broadcast %gt3A_145 : i32 to vector<16xi32>
      %gt3A_147 = arith.cmpi sgt, %get3A_144, %gt3A_146 : vector<16xi32>
      %sub3A_148 = arith.constant 1024 : i32
      %sub3A_149 = vector.broadcast %sub3A_148 : i32 to vector<16xi32>
      %sub3A_150 = arith.subi %get3A_144, %sub3A_149 : vector<16xi32>
      %add3A_151 = arith.constant 997952 : i32
      %add3A_152 = vector.broadcast %add3A_151 : i32 to vector<16xi32>
      %add3A_153 = arith.addi %get3A_144, %add3A_152 : vector<16xi32>
      %select_n3A_154 = arith.select %gt3A_147, %sub3A_150, %add3A_153 : vector<16xi1>, vector<16xi32>
      %swap3A_155 = arith.index_cast %scan3A_88 : i32 to index
      %swap3A_156 = arith.constant 48 : index
      %swap3A_157 = tpu.vector_load %arg8[%swap3A_155, %swap3A_156] {strides = array<i32>} : memref<50x128xi32, #tpu.memory_space<vmem>>, vector<1x16xi32>,
      %swap3A_158 = vector.shape_cast %swap3A_157 : vector<1x16xi32> to vector<16xi32>
      %swap3A_159 = vector.shape_cast %select_n3A_154 : vector<16xi32> to vector<1x16xi32>
      tpu.vector_store %arg8[%swap3A_155, %swap3A_156], %swap3A_159 {strides = array<i32>} : memref<50x128xi32, #tpu.memory_space<vmem>>, vector<1x16xi32>,
      %get3A_160 = arith.index_cast %scan3A_88 : i32 to index
      %get3A_161 = arith.constant 64 : index
      %get3A_162 = tpu.vector_load %arg7[%get3A_160, %get3A_161] {strides = array<i32>} : memref<50x128xi32, #tpu.memory_space<vmem>>, vector<1x16xi32>,
      %get3A_163 = vector.shape_cast %get3A_162 : vector<1x16xi32> to vector<16xi32>
      %gt3A_164 = arith.constant 1024 : i32
      %gt3A_165 = vector.broadcast %gt3A_164 : i32 to vector<16xi32>
      %gt3A_166 = arith.cmpi sgt, %get3A_163, %gt3A_165 : vector<16xi32>
      %sub3A_167 = arith.constant 1024 : i32
      %sub3A_168 = vector.broadcast %sub3A_167 : i32 to vector<16xi32>
      %sub3A_169 = arith.subi %get3A_163, %sub3A_168 : vector<16xi32>
      %add3A_170 = arith.constant 997952 : i32
      %add3A_171 = vector.broadcast %add3A_170 : i32 to vector<16xi32>
      %add3A_172 = arith.addi %get3A_163, %add3A_171 : vector<16xi32>
      %select_n3A_173 = arith.select %gt3A_166, %sub3A_169, %add3A_172 : vector<16xi1>, vector<16xi32>
      %swap3A_174 = arith.index_cast %scan3A_88 : i32 to index
      %swap3A_175 = arith.constant 64 : index
      %swap3A_176 = tpu.vector_load %arg8[%swap3A_174, %swap3A_175] {strides = array<i32>} : memref<50x128xi32, #tpu.memory_space<vmem>>, vector<1x16xi32>,
      %swap3A_177 = vector.shape_cast %swap3A_176 : vector<1x16xi32> to vector<16xi32>
      %swap3A_178 = vector.shape_cast %select_n3A_173 : vector<16xi32> to vector<1x16xi32>
      tpu.vector_store %arg8[%swap3A_174, %swap3A_175], %swap3A_178 {strides = array<i32>} : memref<50x128xi32, #tpu.memory_space<vmem>>, vector<1x16xi32>,
      %get3A_179 = arith.index_cast %scan3A_88 : i32 to index
      %get3A_180 = arith.constant 80 : index
      %get3A_181 = tpu.vector_load %arg7[%get3A_179, %get3A_180] {strides = array<i32>} : memref<50x128xi32, #tpu.memory_space<vmem>>, vector<1x16xi32>,
      %get3A_182 = vector.shape_cast %get3A_181 : vector<1x16xi32> to vector<16xi32>
      %gt3A_183 = arith.constant 1024 : i32
      %gt3A_184 = vector.broadcast %gt3A_183 : i32 to vector<16xi32>
      %gt3A_185 = arith.cmpi sgt, %get3A_182, %gt3A_184 : vector<16xi32>
      %sub3A_186 = arith.constant 1024 : i32
      %sub3A_187 = vector.broadcast %sub3A_186 : i32 to vector<16xi32>
      %sub3A_188 = arith.subi %get3A_182, %sub3A_187 : vector<16xi32>
      %add3A_189 = arith.constant 997952 : i32
      %add3A_190 = vector.broadcast %add3A_189 : i32 to vector<16xi32>
      %add3A_191 = arith.addi %get3A_182, %add3A_190 : vector<16xi32>
      %select_n3A_192 = arith.select %gt3A_185, %sub3A_188, %add3A_191 : vector<16xi1>, vector<16xi32>
      %swap3A_193 = arith.index_cast %scan3A_88 : i32 to index
      %swap3A_194 = arith.constant 80 : index
      %swap3A_195 = tpu.vector_load %arg8[%swap3A_193, %swap3A_194] {strides = array<i32>} : memref<50x128xi32, #tpu.memory_space<vmem>>, vector<1x16xi32>,
      %swap3A_196 = vector.shape_cast %swap3A_195 : vector<1x16xi32> to vector<16xi32>
      %swap3A_197 = vector.shape_cast %select_n3A_192 : vector<16xi32> to vector<1x16xi32>
      tpu.vector_store %arg8[%swap3A_193, %swap3A_194], %swap3A_197 {strides = array<i32>} : memref<50x128xi32, #tpu.memory_space<vmem>>, vector<1x16xi32>,
      %get3A_198 = arith.index_cast %scan3A_88 : i32 to index
      %get3A_199 = arith.constant 96 : index
      %get3A_200 = tpu.vector_load %arg7[%get3A_198, %get3A_199] {strides = array<i32>} : memref<50x128xi32, #tpu.memory_space<vmem>>, vector<1x16xi32>,
      %get3A_201 = vector.shape_cast %get3A_200 : vector<1x16xi32> to vector<16xi32>
      %gt3A_202 = arith.constant 1024 : i32
      %gt3A_203 = vector.broadcast %gt3A_202 : i32 to vector<16xi32>
      %gt3A_204 = arith.cmpi sgt, %get3A_201, %gt3A_203 : vector<16xi32>
      %sub3A_205 = arith.constant 1024 : i32
      %sub3A_206 = vector.broadcast %sub3A_205 : i32 to vector<16xi32>
      %sub3A_207 = arith.subi %get3A_201, %sub3A_206 : vector<16xi32>
      %add3A_208 = arith.constant 997952 : i32
      %add3A_209 = vector.broadcast %add3A_208 : i32 to vector<16xi32>
      %add3A_210 = arith.addi %get3A_201, %add3A_209 : vector<16xi32>
      %select_n3A_211 = arith.select %gt3A_204, %sub3A_207, %add3A_210 : vector<16xi1>, vector<16xi32>
      %swap3A_212 = arith.index_cast %scan3A_88 : i32 to index
      %swap3A_213 = arith.constant 96 : index
      %swap3A_214 = tpu.vector_load %arg8[%swap3A_212, %swap3A_213] {strides = array<i32>} : memref<50x128xi32, #tpu.memory_space<vmem>>, vector<1x16xi32>,
      %swap3A_215 = vector.shape_cast %swap3A_214 : vector<1x16xi32> to vector<16xi32>
      %swap3A_216 = vector.shape_cast %select_n3A_211 : vector<16xi32> to vector<1x16xi32>
      tpu.vector_store %arg8[%swap3A_212, %swap3A_213], %swap3A_216 {strides = array<i32>} : memref<50x128xi32, #tpu.memory_space<vmem>>, vector<1x16xi32>,
      %get3A_217 = arith.index_cast %scan3A_88 : i32 to index
      %get3A_218 = arith.constant 112 : index
      %get3A_219 = tpu.vector_load %arg7[%get3A_217, %get3A_218] {strides = array<i32>} : memref<50x128xi32, #tpu.memory_space<vmem>>, vector<1x16xi32>,
      %get3A_220 = vector.shape_cast %get3A_219 : vector<1x16xi32> to vector<16xi32>
      %gt3A_221 = arith.constant 1024 : i32
      %gt3A_222 = vector.broadcast %gt3A_221 : i32 to vector<16xi32>
      %gt3A_223 = arith.cmpi sgt, %get3A_220, %gt3A_222 : vector<16xi32>
      %sub3A_224 = arith.constant 1024 : i32
      %sub3A_225 = vector.broadcast %sub3A_224 : i32 to vector<16xi32>
      %sub3A_226 = arith.subi %get3A_220, %sub3A_225 : vector<16xi32>
      %add3A_227 = arith.constant 997952 : i32
      %add3A_228 = vector.broadcast %add3A_227 : i32 to vector<16xi32>
      %add3A_229 = arith.addi %get3A_220, %add3A_228 : vector<16xi32>
      %select_n3A_230 = arith.select %gt3A_223, %sub3A_226, %add3A_229 : vector<16xi1>, vector<16xi32>
      %swap3A_231 = arith.index_cast %scan3A_88 : i32 to index
      %swap3A_232 = arith.constant 112 : index
      %swap3A_233 = tpu.vector_load %arg8[%swap3A_231, %swap3A_232] {strides = array<i32>} : memref<50x128xi32, #tpu.memory_space<vmem>>, vector<1x16xi32>,
      %swap3A_234 = vector.shape_cast %swap3A_233 : vector<1x16xi32> to vector<16xi32>
      %swap3A_235 = vector.shape_cast %select_n3A_230 : vector<16xi32> to vector<1x16xi32>
      tpu.vector_store %arg8[%swap3A_231, %swap3A_232], %swap3A_235 {strides = array<i32>} : memref<50x128xi32, #tpu.memory_space<vmem>>, vector<1x16xi32>,
    }
    %scan3A_7 = arith.constant 50 : i32
    %add3A_8 = arith.constant 0 : i32
    %add3A_9 = arith.addi %mul3A_2, %add3A_8 : i32
    %dma_start3A = arith.constant 0 : i32
    %dma_start3A_10 = arith.constant 0 : i32
    %dma_start3A_11 = tpu.memref_slice %arg7[%dma_start3A, %dma_start3A_10] : memref<50x128xi32, #tpu.memory_space<vmem>> -> memref<1x128xi32, #tpu.memory_space<vmem>>
    %dma_start3A_12 = tpu.memref_squeeze %dma_start3A_11 : memref<1x128xi32, #tpu.memory_space<vmem>> -> memref<128xi32, #tpu.memory_space<vmem>>
    %dma_start3A_13 = arith.constant 0 : i32
    %dma_start3A_14 = arith.constant 0 : i32
    %dma_start3A_15 = tpu.memref_slice %arg3[%dma_start3A_13, %dma_start3A_14] : memref<1000000x64xf32, #tpu.memory_space<hbm>> -> memref<1000000x64xf32, #tpu.memory_space<hbm>>
    tpu.enqueue_indirect_dma source(%dma_start3A_15 : memref<1000000x64xf32, #tpu.memory_space<hbm>>) target(%arg9 : memref<128x64xf32, #tpu.memory_space<vmem>>) offsets(%dma_start3A_12 : memref<128xi32, #tpu.memory_space<vmem>>) semaphore(%arg15 : memref<!tpu.dma_semaphore, #tpu.memory_space<semaphore_mem>>)
    %dma_start3A_16 = arith.constant 0 : i32
    %dma_start3A_17 = arith.constant 0 : i32
    %dma_start3A_18 = tpu.memref_slice %arg8[%dma_start3A_16, %dma_start3A_17] : memref<50x128xi32, #tpu.memory_space<vmem>> -> memref<1x128xi32, #tpu.memory_space<vmem>>
    %dma_start3A_19 = tpu.memref_squeeze %dma_start3A_18 : memref<1x128xi32, #tpu.memory_space<vmem>> -> memref<128xi32, #tpu.memory_space<vmem>>
    %dma_start3A_20 = arith.constant 0 : i32
    %dma_start3A_21 = arith.constant 0 : i32
    %dma_start3A_22 = tpu.memref_slice %arg4[%dma_start3A_20, %dma_start3A_21] : memref<998977x32xf32, #tpu.memory_space<hbm>> -> memref<998977x32xf32, #tpu.memory_space<hbm>>
    tpu.enqueue_indirect_dma source(%dma_start3A_22 : memref<998977x32xf32, #tpu.memory_space<hbm>>) target(%arg10 : memref<128x32xf32, #tpu.memory_space<vmem>>) offsets(%dma_start3A_19 : memref<128xi32, #tpu.memory_space<vmem>>) semaphore(%arg15 : memref<!tpu.dma_semaphore, #tpu.memory_space<semaphore_mem>>)
    %dma_start3A_23 = arith.constant 0 : i32
    %dma_start3A_24 = tpu.memref_slice %arg5[%add3A_9, %dma_start3A_23] : memref<204800x16xf32, #tpu.memory_space<hbm>> -> memref<128x16xf32, #tpu.memory_space<hbm>>
    %dma_start3A_25 = arith.constant 0 : i32
    %dma_start3A_26 = tpu.memref_slice %arg5[%add3A_9, %dma_start3A_25] : memref<204800x16xf32, #tpu.memory_space<hbm>> -> memref<128x16xf32, #tpu.memory_space<hbm>>
    tpu.enqueue_dma source(%dma_start3A_26 : memref<128x16xf32, #tpu.memory_space<hbm>>) target(%arg11 : memref<128x16xf32, #tpu.memory_space<vmem>>) target_semaphore(%arg15 : memref<!tpu.dma_semaphore, #tpu.memory_space<semaphore_mem>>)
    %add3A_27 = arith.constant 128 : i32
    %add3A_28 = arith.addi %mul3A_2, %add3A_27 : i32
    %dma_start3A_29 = arith.constant 1 : i32
    %dma_start3A_30 = arith.constant 0 : i32
    %dma_start3A_31 = tpu.memref_slice %arg7[%dma_start3A_29, %dma_start3A_30] : memref<50x128xi32, #tpu.memory_space<vmem>> -> memref<1x128xi32, #tpu.memory_space<vmem>>
    %dma_start3A_32 = tpu.memref_squeeze %dma_start3A_31 : memref<1x128xi32, #tpu.memory_space<vmem>> -> memref<128xi32, #tpu.memory_space<vmem>>
    %dma_start3A_33 = arith.constant 0 : i32
    %dma_start3A_34 = arith.constant 0 : i32
    %dma_start3A_35 = tpu.memref_slice %arg3[%dma_start3A_33, %dma_start3A_34] : memref<1000000x64xf32, #tpu.memory_space<hbm>> -> memref<1000000x64xf32, #tpu.memory_space<hbm>>
    tpu.enqueue_indirect_dma source(%dma_start3A_35 : memref<1000000x64xf32, #tpu.memory_space<hbm>>) target(%arg12 : memref<128x64xf32, #tpu.memory_space<vmem>>) offsets(%dma_start3A_32 : memref<128xi32, #tpu.memory_space<vmem>>) semaphore(%arg16 : memref<!tpu.dma_semaphore, #tpu.memory_space<semaphore_mem>>)
    %dma_start3A_36 = arith.constant 1 : i32
    %dma_start3A_37 = arith.constant 0 : i32
    %dma_start3A_38 = tpu.memref_slice %arg8[%dma_start3A_36, %dma_start3A_37] : memref<50x128xi32, #tpu.memory_space<vmem>> -> memref<1x128xi32, #tpu.memory_space<vmem>>
    %dma_start3A_39 = tpu.memref_squeeze %dma_start3A_38 : memref<1x128xi32, #tpu.memory_space<vmem>> -> memref<128xi32, #tpu.memory_space<vmem>>
    %dma_start3A_40 = arith.constant 0 : i32
    %dma_start3A_41 = arith.constant 0 : i32
    %dma_start3A_42 = tpu.memref_slice %arg4[%dma_start3A_40, %dma_start3A_41] : memref<998977x32xf32, #tpu.memory_space<hbm>> -> memref<998977x32xf32, #tpu.memory_space<hbm>>
    tpu.enqueue_indirect_dma source(%dma_start3A_42 : memref<998977x32xf32, #tpu.memory_space<hbm>>) target(%arg13 : memref<128x32xf32, #tpu.memory_space<vmem>>) offsets(%dma_start3A_39 : memref<128xi32, #tpu.memory_space<vmem>>) semaphore(%arg16 : memref<!tpu.dma_semaphore, #tpu.memory_space<semaphore_mem>>)
    %dma_start3A_43 = arith.constant 0 : i32
    %dma_start3A_44 = tpu.memref_slice %arg5[%add3A_28, %dma_start3A_43] : memref<204800x16xf32, #tpu.memory_space<hbm>> -> memref<128x16xf32, #tpu.memory_space<hbm>>
    %dma_start3A_45 = arith.constant 0 : i32
    %dma_start3A_46 = tpu.memref_slice %arg5[%add3A_28, %dma_start3A_45] : memref<204800x16xf32, #tpu.memory_space<hbm>> -> memref<128x16xf32, #tpu.memory_space<hbm>>
    tpu.enqueue_dma source(%dma_start3A_46 : memref<128x16xf32, #tpu.memory_space<hbm>>) target(%arg14 : memref<128x16xf32, #tpu.memory_space<vmem>>) target_semaphore(%arg16 : memref<!tpu.dma_semaphore, #tpu.memory_space<semaphore_mem>>)
    %scan3A_47 = arith.constant 0 : i32
    %scan3A_48 = arith.constant 0 : i32
    %scan3A_49 = arith.constant 25 : i32
    %scan3A_50 = arith.addi %scan3A_48, %scan3A_49 : i32
    %scan3A_51 = arith.constant 1 : i32
    scf.for %scan3A_88 = %scan3A_48 to %scan3A_50 step %scan3A_51  : i32 {
      %mul3A_89 = arith.constant 2 : i32
      %mul3A_90 = arith.muli %mul3A_89, %scan3A_88 : i32
      %add3A_91 = arith.constant 1 : i32
      %add3A_92 = arith.addi %mul3A_90, %add3A_91 : i32
      %mul3A_93 = arith.constant 128 : i32
      %mul3A_94 = arith.muli %mul3A_90, %mul3A_93 : i32
      %add3A_95 = arith.addi %mul3A_2, %mul3A_94 : i32
      %dma_wait3A_96 = arith.constant 0 : i32
      %dma_wait3A_97 = tpu.memref_slice %arg7[%mul3A_90, %dma_wait3A_96] : memref<50x128xi32, #tpu.memory_space<vmem>> -> memref<1x128xi32, #tpu.memory_space<vmem>>
      %dma_wait3A_98 = tpu.memref_squeeze %dma_wait3A_97 : memref<1x128xi32, #tpu.memory_space<vmem>> -> memref<128xi32, #tpu.memory_space<vmem>>
      %dma_wait3A_99 = arith.constant 0 : i32
      %dma_wait3A_100 = arith.constant 0 : i32
      %dma_wait3A_101 = tpu.memref_slice %arg3[%dma_wait3A_99, %dma_wait3A_100] : memref<1000000x64xf32, #tpu.memory_space<hbm>> -> memref<1000000x64xf32, #tpu.memory_space<hbm>>
      tpu.wait_indirect_dma semaphore(%arg15 : memref<!tpu.dma_semaphore, #tpu.memory_space<semaphore_mem>>) src(%dma_wait3A_101 : memref<1000000x64xf32, #tpu.memory_space<hbm>>) dst(%arg9 : memref<128x64xf32, #tpu.memory_space<vmem>>)
      %dma_wait3A_102 = arith.constant 0 : i32
      %dma_wait3A_103 = tpu.memref_slice %arg8[%mul3A_90, %dma_wait3A_102] : memref<50x128xi32, #tpu.memory_space<vmem>> -> memref<1x128xi32, #tpu.memory_space<vmem>>
      %dma_wait3A_104 = tpu.memref_squeeze %dma_wait3A_103 : memref<1x128xi32, #tpu.memory_space<vmem>> -> memref<128xi32, #tpu.memory_space<vmem>>
      %dma_wait3A_105 = arith.constant 0 : i32
      %dma_wait3A_106 = arith.constant 0 : i32
      %dma_wait3A_107 = tpu.memref_slice %arg4[%dma_wait3A_105, %dma_wait3A_106] : memref<998977x32xf32, #tpu.memory_space<hbm>> -> memref<998977x32xf32, #tpu.memory_space<hbm>>
      tpu.wait_indirect_dma semaphore(%arg15 : memref<!tpu.dma_semaphore, #tpu.memory_space<semaphore_mem>>) src(%dma_wait3A_107 : memref<998977x32xf32, #tpu.memory_space<hbm>>) dst(%arg10 : memref<128x32xf32, #tpu.memory_space<vmem>>)
      %dma_wait3A_108 = arith.constant 0 : i32
      %dma_wait3A_109 = tpu.memref_slice %arg5[%add3A_95, %dma_wait3A_108] : memref<204800x16xf32, #tpu.memory_space<hbm>> -> memref<128x16xf32, #tpu.memory_space<hbm>>
      %dma_wait3A_110 = arith.constant 0 : i32
      %dma_wait3A_111 = tpu.memref_slice %arg5[%add3A_95, %dma_wait3A_110] : memref<204800x16xf32, #tpu.memory_space<hbm>> -> memref<128x16xf32, #tpu.memory_space<hbm>>
      tpu.wait_dma2 semaphore(%arg15 : memref<!tpu.dma_semaphore, #tpu.memory_space<semaphore_mem>>) src(%dma_wait3A_111 : memref<128x16xf32, #tpu.memory_space<hbm>>) dst(%arg11 : memref<128x16xf32, #tpu.memory_space<vmem>>)
      %mul3A_112 = arith.constant 128 : i32
      %mul3A_113 = arith.muli %mul3A_90, %mul3A_112 : i32
      %add3A_114 = arith.addi %mul3A_2, %mul3A_113 : i32
      %dma_start3A_115 = arith.constant 0 : i32
      %dma_start3A_116 = tpu.memref_slice %arg6[%add3A_114, %dma_start3A_115] : memref<204800x128xf32, #tpu.memory_space<hbm>> -> memref<128x64xf32, #tpu.memory_space<hbm>>
      %dma_start3A_117 = arith.constant 0 : i32
      %dma_start3A_118 = tpu.memref_slice %arg6[%add3A_114, %dma_start3A_117] : memref<204800x128xf32, #tpu.memory_space<hbm>> -> memref<128x64xf32, #tpu.memory_space<hbm>>
      tpu.enqueue_dma source(%arg9 : memref<128x64xf32, #tpu.memory_space<vmem>>) target(%dma_start3A_118 : memref<128x64xf32, #tpu.memory_space<hbm>>) target_semaphore(%arg17 : memref<!tpu.dma_semaphore, #tpu.memory_space<semaphore_mem>>)
      %dma_start3A_119 = arith.constant 64 : i32
      %dma_start3A_120 = tpu.memref_slice %arg6[%add3A_114, %dma_start3A_119] : memref<204800x128xf32, #tpu.memory_space<hbm>> -> memref<128x32xf32, #tpu.memory_space<hbm>>
      %dma_start3A_121 = arith.constant 64 : i32
      %dma_start3A_122 = tpu.memref_slice %arg6[%add3A_114, %dma_start3A_121] : memref<204800x128xf32, #tpu.memory_space<hbm>> -> memref<128x32xf32, #tpu.memory_space<hbm>>
      tpu.enqueue_dma source(%arg10 : memref<128x32xf32, #tpu.memory_space<vmem>>) target(%dma_start3A_122 : memref<128x32xf32, #tpu.memory_space<hbm>>) target_semaphore(%arg17 : memref<!tpu.dma_semaphore, #tpu.memory_space<semaphore_mem>>)
      %dma_start3A_123 = arith.constant 96 : i32
      %dma_start3A_124 = tpu.memref_slice %arg6[%add3A_114, %dma_start3A_123] : memref<204800x128xf32, #tpu.memory_space<hbm>> -> memref<128x16xf32, #tpu.memory_space<hbm>>
      %dma_start3A_125 = arith.constant 96 : i32
      %dma_start3A_126 = tpu.memref_slice %arg6[%add3A_114, %dma_start3A_125] : memref<204800x128xf32, #tpu.memory_space<hbm>> -> memref<128x16xf32, #tpu.memory_space<hbm>>
      tpu.enqueue_dma source(%arg11 : memref<128x16xf32, #tpu.memory_space<vmem>>) target(%dma_start3A_126 : memref<128x16xf32, #tpu.memory_space<hbm>>) target_semaphore(%arg17 : memref<!tpu.dma_semaphore, #tpu.memory_space<semaphore_mem>>)
      %dma_start3A_127 = arith.constant 112 : i32
      %dma_start3A_128 = tpu.memref_slice %arg6[%add3A_114, %dma_start3A_127] : memref<204800x128xf32, #tpu.memory_space<hbm>> -> memref<128x16xf32, #tpu.memory_space<hbm>>
      %dma_start3A_129 = arith.constant 112 : i32
      %dma_start3A_130 = tpu.memref_slice %arg6[%add3A_114, %dma_start3A_129] : memref<204800x128xf32, #tpu.memory_space<hbm>> -> memref<128x16xf32, #tpu.memory_space<hbm>>
      tpu.enqueue_dma source(%arg11 : memref<128x16xf32, #tpu.memory_space<vmem>>) target(%dma_start3A_130 : memref<128x16xf32, #tpu.memory_space<hbm>>) target_semaphore(%arg17 : memref<!tpu.dma_semaphore, #tpu.memory_space<semaphore_mem>>)
      %mul3A_131 = arith.constant 128 : i32
      %mul3A_132 = arith.muli %add3A_92, %mul3A_131 : i32
      %add3A_133 = arith.addi %mul3A_2, %mul3A_132 : i32
      %dma_wait3A_134 = arith.constant 0 : i32
      %dma_wait3A_135 = tpu.memref_slice %arg7[%add3A_92, %dma_wait3A_134] : memref<50x128xi32, #tpu.memory_space<vmem>> -> memref<1x128xi32, #tpu.memory_space<vmem>>
      %dma_wait3A_136 = tpu.memref_squeeze %dma_wait3A_135 : memref<1x128xi32, #tpu.memory_space<vmem>> -> memref<128xi32, #tpu.memory_space<vmem>>
      %dma_wait3A_137 = arith.constant 0 : i32
      %dma_wait3A_138 = arith.constant 0 : i32
      %dma_wait3A_139 = tpu.memref_slice %arg3[%dma_wait3A_137, %dma_wait3A_138] : memref<1000000x64xf32, #tpu.memory_space<hbm>> -> memref<1000000x64xf32, #tpu.memory_space<hbm>>
      tpu.wait_indirect_dma semaphore(%arg16 : memref<!tpu.dma_semaphore, #tpu.memory_space<semaphore_mem>>) src(%dma_wait3A_139 : memref<1000000x64xf32, #tpu.memory_space<hbm>>) dst(%arg12 : memref<128x64xf32, #tpu.memory_space<vmem>>)
      %dma_wait3A_140 = arith.constant 0 : i32
      %dma_wait3A_141 = tpu.memref_slice %arg8[%add3A_92, %dma_wait3A_140] : memref<50x128xi32, #tpu.memory_space<vmem>> -> memref<1x128xi32, #tpu.memory_space<vmem>>
      %dma_wait3A_142 = tpu.memref_squeeze %dma_wait3A_141 : memref<1x128xi32, #tpu.memory_space<vmem>> -> memref<128xi32, #tpu.memory_space<vmem>>
      %dma_wait3A_143 = arith.constant 0 : i32
      %dma_wait3A_144 = arith.constant 0 : i32
      %dma_wait3A_145 = tpu.memref_slice %arg4[%dma_wait3A_143, %dma_wait3A_144] : memref<998977x32xf32, #tpu.memory_space<hbm>> -> memref<998977x32xf32, #tpu.memory_space<hbm>>
      tpu.wait_indirect_dma semaphore(%arg16 : memref<!tpu.dma_semaphore, #tpu.memory_space<semaphore_mem>>) src(%dma_wait3A_145 : memref<998977x32xf32, #tpu.memory_space<hbm>>) dst(%arg13 : memref<128x32xf32, #tpu.memory_space<vmem>>)
      %dma_wait3A_146 = arith.constant 0 : i32
      %dma_wait3A_147 = tpu.memref_slice %arg5[%add3A_133, %dma_wait3A_146] : memref<204800x16xf32, #tpu.memory_space<hbm>> -> memref<128x16xf32, #tpu.memory_space<hbm>>
      %dma_wait3A_148 = arith.constant 0 : i32
      %dma_wait3A_149 = tpu.memref_slice %arg5[%add3A_133, %dma_wait3A_148] : memref<204800x16xf32, #tpu.memory_space<hbm>> -> memref<128x16xf32, #tpu.memory_space<hbm>>
      tpu.wait_dma2 semaphore(%arg16 : memref<!tpu.dma_semaphore, #tpu.memory_space<semaphore_mem>>) src(%dma_wait3A_149 : memref<128x16xf32, #tpu.memory_space<hbm>>) dst(%arg14 : memref<128x16xf32, #tpu.memory_space<vmem>>)
      %mul3A_150 = arith.constant 128 : i32
      %mul3A_151 = arith.muli %add3A_92, %mul3A_150 : i32
      %add3A_152 = arith.addi %mul3A_2, %mul3A_151 : i32
      %dma_start3A_153 = arith.constant 0 : i32
      %dma_start3A_154 = tpu.memref_slice %arg6[%add3A_152, %dma_start3A_153] : memref<204800x128xf32, #tpu.memory_space<hbm>> -> memref<128x64xf32, #tpu.memory_space<hbm>>
      %dma_start3A_155 = arith.constant 0 : i32
      %dma_start3A_156 = tpu.memref_slice %arg6[%add3A_152, %dma_start3A_155] : memref<204800x128xf32, #tpu.memory_space<hbm>> -> memref<128x64xf32, #tpu.memory_space<hbm>>
      tpu.enqueue_dma source(%arg12 : memref<128x64xf32, #tpu.memory_space<vmem>>) target(%dma_start3A_156 : memref<128x64xf32, #tpu.memory_space<hbm>>) target_semaphore(%arg18 : memref<!tpu.dma_semaphore, #tpu.memory_space<semaphore_mem>>)
      %dma_start3A_157 = arith.constant 64 : i32
      %dma_start3A_158 = tpu.memref_slice %arg6[%add3A_152, %dma_start3A_157] : memref<204800x128xf32, #tpu.memory_space<hbm>> -> memref<128x32xf32, #tpu.memory_space<hbm>>
      %dma_start3A_159 = arith.constant 64 : i32
      %dma_start3A_160 = tpu.memref_slice %arg6[%add3A_152, %dma_start3A_159] : memref<204800x128xf32, #tpu.memory_space<hbm>> -> memref<128x32xf32, #tpu.memory_space<hbm>>
      tpu.enqueue_dma source(%arg13 : memref<128x32xf32, #tpu.memory_space<vmem>>) target(%dma_start3A_160 : memref<128x32xf32, #tpu.memory_space<hbm>>) target_semaphore(%arg18 : memref<!tpu.dma_semaphore, #tpu.memory_space<semaphore_mem>>)
      %dma_start3A_161 = arith.constant 96 : i32
      %dma_start3A_162 = tpu.memref_slice %arg6[%add3A_152, %dma_start3A_161] : memref<204800x128xf32, #tpu.memory_space<hbm>> -> memref<128x16xf32, #tpu.memory_space<hbm>>
      %dma_start3A_163 = arith.constant 96 : i32
      %dma_start3A_164 = tpu.memref_slice %arg6[%add3A_152, %dma_start3A_163] : memref<204800x128xf32, #tpu.memory_space<hbm>> -> memref<128x16xf32, #tpu.memory_space<hbm>>
      tpu.enqueue_dma source(%arg14 : memref<128x16xf32, #tpu.memory_space<vmem>>) target(%dma_start3A_164 : memref<128x16xf32, #tpu.memory_space<hbm>>) target_semaphore(%arg18 : memref<!tpu.dma_semaphore, #tpu.memory_space<semaphore_mem>>)
      %dma_start3A_165 = arith.constant 112 : i32
      %dma_start3A_166 = tpu.memref_slice %arg6[%add3A_152, %dma_start3A_165] : memref<204800x128xf32, #tpu.memory_space<hbm>> -> memref<128x16xf32, #tpu.memory_space<hbm>>
      %dma_start3A_167 = arith.constant 112 : i32
      %dma_start3A_168 = tpu.memref_slice %arg6[%add3A_152, %dma_start3A_167] : memref<204800x128xf32, #tpu.memory_space<hbm>> -> memref<128x16xf32, #tpu.memory_space<hbm>>
      tpu.enqueue_dma source(%arg14 : memref<128x16xf32, #tpu.memory_space<vmem>>) target(%dma_start3A_168 : memref<128x16xf32, #tpu.memory_space<hbm>>) target_semaphore(%arg18 : memref<!tpu.dma_semaphore, #tpu.memory_space<semaphore_mem>>)
      %add3A_169 = arith.constant 1 : i32
      %add3A_170 = arith.addi %scan3A_88, %add3A_169 : i32
      %lt3A = arith.constant 25 : i32
      %lt3A_171 = arith.cmpi slt, %add3A_170, %lt3A : i32
      %convert_element_type3A = arith.extui %lt3A_171 : i1 to i32
      %cond3A = arith.constant 0 : i32
      %cond3A_172 = arith.cmpi ne, %convert_element_type3A, %cond3A : i32
      scf.if %cond3A_172 {
        %mul3A_173 = arith.constant 128 : i32
        %mul3A_174 = arith.muli %mul3A_90, %mul3A_173 : i32
        %add3A_175 = arith.addi %mul3A_2, %mul3A_174 : i32
        %dma_wait3A_176 = arith.constant 0 : i32
        %dma_wait3A_177 = tpu.memref_slice %arg6[%add3A_175, %dma_wait3A_176] : memref<204800x128xf32, #tpu.memory_space<hbm>> -> memref<128x64xf32, #tpu.memory_space<hbm>>
        %dma_wait3A_178 = arith.constant 0 : i32
        %dma_wait3A_179 = tpu.memref_slice %arg6[%add3A_175, %dma_wait3A_178] : memref<204800x128xf32, #tpu.memory_space<hbm>> -> memref<128x64xf32, #tpu.memory_space<hbm>>
        tpu.wait_dma2 semaphore(%arg17 : memref<!tpu.dma_semaphore, #tpu.memory_space<semaphore_mem>>) src(%arg9 : memref<128x64xf32, #tpu.memory_space<vmem>>) dst(%dma_wait3A_179 : memref<128x64xf32, #tpu.memory_space<hbm>>)
        %dma_wait3A_180 = arith.constant 64 : i32
        %dma_wait3A_181 = tpu.memref_slice %arg6[%add3A_175, %dma_wait3A_180] : memref<204800x128xf32, #tpu.memory_space<hbm>> -> memref<128x32xf32, #tpu.memory_space<hbm>>
        %dma_wait3A_182 = arith.constant 64 : i32
        %dma_wait3A_183 = tpu.memref_slice %arg6[%add3A_175, %dma_wait3A_182] : memref<204800x128xf32, #tpu.memory_space<hbm>> -> memref<128x32xf32, #tpu.memory_space<hbm>>
        tpu.wait_dma2 semaphore(%arg17 : memref<!tpu.dma_semaphore, #tpu.memory_space<semaphore_mem>>) src(%arg10 : memref<128x32xf32, #tpu.memory_space<vmem>>) dst(%dma_wait3A_183 : memref<128x32xf32, #tpu.memory_space<hbm>>)
        %dma_wait3A_184 = arith.constant 96 : i32
        %dma_wait3A_185 = tpu.memref_slice %arg6[%add3A_175, %dma_wait3A_184] : memref<204800x128xf32, #tpu.memory_space<hbm>> -> memref<128x16xf32, #tpu.memory_space<hbm>>
        %dma_wait3A_186 = arith.constant 96 : i32
        %dma_wait3A_187 = tpu.memref_slice %arg6[%add3A_175, %dma_wait3A_186] : memref<204800x128xf32, #tpu.memory_space<hbm>> -> memref<128x16xf32, #tpu.memory_space<hbm>>
        tpu.wait_dma2 semaphore(%arg17 : memref<!tpu.dma_semaphore, #tpu.memory_space<semaphore_mem>>) src(%arg11 : memref<128x16xf32, #tpu.memory_space<vmem>>) dst(%dma_wait3A_187 : memref<128x16xf32, #tpu.memory_space<hbm>>)
        %dma_wait3A_188 = arith.constant 112 : i32
        %dma_wait3A_189 = tpu.memref_slice %arg6[%add3A_175, %dma_wait3A_188] : memref<204800x128xf32, #tpu.memory_space<hbm>> -> memref<128x16xf32, #tpu.memory_space<hbm>>
        %dma_wait3A_190 = arith.constant 112 : i32
        %dma_wait3A_191 = tpu.memref_slice %arg6[%add3A_175, %dma_wait3A_190] : memref<204800x128xf32, #tpu.memory_space<hbm>> -> memref<128x16xf32, #tpu.memory_space<hbm>>
        tpu.wait_dma2 semaphore(%arg17 : memref<!tpu.dma_semaphore, #tpu.memory_space<semaphore_mem>>) src(%arg11 : memref<128x16xf32, #tpu.memory_space<vmem>>) dst(%dma_wait3A_191 : memref<128x16xf32, #tpu.memory_space<hbm>>)
        %add3A_192 = arith.constant 2 : i32
        %add3A_193 = arith.addi %mul3A_90, %add3A_192 : i32
        %mul3A_194 = arith.constant 128 : i32
        %mul3A_195 = arith.muli %add3A_193, %mul3A_194 : i32
        %add3A_196 = arith.addi %mul3A_2, %mul3A_195 : i32
        %dma_start3A_197 = arith.constant 0 : i32
        %dma_start3A_198 = tpu.memref_slice %arg7[%add3A_193, %dma_start3A_197] : memref<50x128xi32, #tpu.memory_space<vmem>> -> memref<1x128xi32, #tpu.memory_space<vmem>>
        %dma_start3A_199 = tpu.memref_squeeze %dma_start3A_198 : memref<1x128xi32, #tpu.memory_space<vmem>> -> memref<128xi32, #tpu.memory_space<vmem>>
        %dma_start3A_200 = arith.constant 0 : i32
        %dma_start3A_201 = arith.constant 0 : i32
        %dma_start3A_202 = tpu.memref_slice %arg3[%dma_start3A_200, %dma_start3A_201] : memref<1000000x64xf32, #tpu.memory_space<hbm>> -> memref<1000000x64xf32, #tpu.memory_space<hbm>>
        tpu.enqueue_indirect_dma source(%dma_start3A_202 : memref<1000000x64xf32, #tpu.memory_space<hbm>>) target(%arg9 : memref<128x64xf32, #tpu.memory_space<vmem>>) offsets(%dma_start3A_199 : memref<128xi32, #tpu.memory_space<vmem>>) semaphore(%arg15 : memref<!tpu.dma_semaphore, #tpu.memory_space<semaphore_mem>>)
        %dma_start3A_203 = arith.constant 0 : i32
        %dma_start3A_204 = tpu.memref_slice %arg8[%add3A_193, %dma_start3A_203] : memref<50x128xi32, #tpu.memory_space<vmem>> -> memref<1x128xi32, #tpu.memory_space<vmem>>
        %dma_start3A_205 = tpu.memref_squeeze %dma_start3A_204 : memref<1x128xi32, #tpu.memory_space<vmem>> -> memref<128xi32, #tpu.memory_space<vmem>>
        %dma_start3A_206 = arith.constant 0 : i32
        %dma_start3A_207 = arith.constant 0 : i32
        %dma_start3A_208 = tpu.memref_slice %arg4[%dma_start3A_206, %dma_start3A_207] : memref<998977x32xf32, #tpu.memory_space<hbm>> -> memref<998977x32xf32, #tpu.memory_space<hbm>>
        tpu.enqueue_indirect_dma source(%dma_start3A_208 : memref<998977x32xf32, #tpu.memory_space<hbm>>) target(%arg10 : memref<128x32xf32, #tpu.memory_space<vmem>>) offsets(%dma_start3A_205 : memref<128xi32, #tpu.memory_space<vmem>>) semaphore(%arg15 : memref<!tpu.dma_semaphore, #tpu.memory_space<semaphore_mem>>)
        %dma_start3A_209 = arith.constant 0 : i32
        %dma_start3A_210 = tpu.memref_slice %arg5[%add3A_196, %dma_start3A_209] : memref<204800x16xf32, #tpu.memory_space<hbm>> -> memref<128x16xf32, #tpu.memory_space<hbm>>
        %dma_start3A_211 = arith.constant 0 : i32
        %dma_start3A_212 = tpu.memref_slice %arg5[%add3A_196, %dma_start3A_211] : memref<204800x16xf32, #tpu.memory_space<hbm>> -> memref<128x16xf32, #tpu.memory_space<hbm>>
        tpu.enqueue_dma source(%dma_start3A_212 : memref<128x16xf32, #tpu.memory_space<hbm>>) target(%arg11 : memref<128x16xf32, #tpu.memory_space<vmem>>) target_semaphore(%arg15 : memref<!tpu.dma_semaphore, #tpu.memory_space<semaphore_mem>>)
        %mul3A_213 = arith.constant 128 : i32
        %mul3A_214 = arith.muli %add3A_92, %mul3A_213 : i32
        %add3A_215 = arith.addi %mul3A_2, %mul3A_214 : i32
        %dma_wait3A_216 = arith.constant 0 : i32
        %dma_wait3A_217 = tpu.memref_slice %arg6[%add3A_215, %dma_wait3A_216] : memref<204800x128xf32, #tpu.memory_space<hbm>> -> memref<128x64xf32, #tpu.memory_space<hbm>>
        %dma_wait3A_218 = arith.constant 0 : i32
        %dma_wait3A_219 = tpu.memref_slice %arg6[%add3A_215, %dma_wait3A_218] : memref<204800x128xf32, #tpu.memory_space<hbm>> -> memref<128x64xf32, #tpu.memory_space<hbm>>
        tpu.wait_dma2 semaphore(%arg18 : memref<!tpu.dma_semaphore, #tpu.memory_space<semaphore_mem>>) src(%arg12 : memref<128x64xf32, #tpu.memory_space<vmem>>) dst(%dma_wait3A_219 : memref<128x64xf32, #tpu.memory_space<hbm>>)
        %dma_wait3A_220 = arith.constant 64 : i32
        %dma_wait3A_221 = tpu.memref_slice %arg6[%add3A_215, %dma_wait3A_220] : memref<204800x128xf32, #tpu.memory_space<hbm>> -> memref<128x32xf32, #tpu.memory_space<hbm>>
        %dma_wait3A_222 = arith.constant 64 : i32
        %dma_wait3A_223 = tpu.memref_slice %arg6[%add3A_215, %dma_wait3A_222] : memref<204800x128xf32, #tpu.memory_space<hbm>> -> memref<128x32xf32, #tpu.memory_space<hbm>>
        tpu.wait_dma2 semaphore(%arg18 : memref<!tpu.dma_semaphore, #tpu.memory_space<semaphore_mem>>) src(%arg13 : memref<128x32xf32, #tpu.memory_space<vmem>>) dst(%dma_wait3A_223 : memref<128x32xf32, #tpu.memory_space<hbm>>)
        %dma_wait3A_224 = arith.constant 96 : i32
        %dma_wait3A_225 = tpu.memref_slice %arg6[%add3A_215, %dma_wait3A_224] : memref<204800x128xf32, #tpu.memory_space<hbm>> -> memref<128x16xf32, #tpu.memory_space<hbm>>
        %dma_wait3A_226 = arith.constant 96 : i32
        %dma_wait3A_227 = tpu.memref_slice %arg6[%add3A_215, %dma_wait3A_226] : memref<204800x128xf32, #tpu.memory_space<hbm>> -> memref<128x16xf32, #tpu.memory_space<hbm>>
        tpu.wait_dma2 semaphore(%arg18 : memref<!tpu.dma_semaphore, #tpu.memory_space<semaphore_mem>>) src(%arg14 : memref<128x16xf32, #tpu.memory_space<vmem>>) dst(%dma_wait3A_227 : memref<128x16xf32, #tpu.memory_space<hbm>>)
        %dma_wait3A_228 = arith.constant 112 : i32
        %dma_wait3A_229 = tpu.memref_slice %arg6[%add3A_215, %dma_wait3A_228] : memref<204800x128xf32, #tpu.memory_space<hbm>> -> memref<128x16xf32, #tpu.memory_space<hbm>>
        %dma_wait3A_230 = arith.constant 112 : i32
        %dma_wait3A_231 = tpu.memref_slice %arg6[%add3A_215, %dma_wait3A_230] : memref<204800x128xf32, #tpu.memory_space<hbm>> -> memref<128x16xf32, #tpu.memory_space<hbm>>
        tpu.wait_dma2 semaphore(%arg18 : memref<!tpu.dma_semaphore, #tpu.memory_space<semaphore_mem>>) src(%arg14 : memref<128x16xf32, #tpu.memory_space<vmem>>) dst(%dma_wait3A_231 : memref<128x16xf32, #tpu.memory_space<hbm>>)
        %add3A_232 = arith.constant 2 : i32
        %add3A_233 = arith.addi %add3A_92, %add3A_232 : i32
        %mul3A_234 = arith.constant 128 : i32
        %mul3A_235 = arith.muli %add3A_233, %mul3A_234 : i32
        %add3A_236 = arith.addi %mul3A_2, %mul3A_235 : i32
        %dma_start3A_237 = arith.constant 0 : i32
        %dma_start3A_238 = tpu.memref_slice %arg7[%add3A_233, %dma_start3A_237] : memref<50x128xi32, #tpu.memory_space<vmem>> -> memref<1x128xi32, #tpu.memory_space<vmem>>
        %dma_start3A_239 = tpu.memref_squeeze %dma_start3A_238 : memref<1x128xi32, #tpu.memory_space<vmem>> -> memref<128xi32, #tpu.memory_space<vmem>>
        %dma_start3A_240 = arith.constant 0 : i32
        %dma_start3A_241 = arith.constant 0 : i32
        %dma_start3A_242 = tpu.memref_slice %arg3[%dma_start3A_240, %dma_start3A_241] : memref<1000000x64xf32, #tpu.memory_space<hbm>> -> memref<1000000x64xf32, #tpu.memory_space<hbm>>
        tpu.enqueue_indirect_dma source(%dma_start3A_242 : memref<1000000x64xf32, #tpu.memory_space<hbm>>) target(%arg12 : memref<128x64xf32, #tpu.memory_space<vmem>>) offsets(%dma_start3A_239 : memref<128xi32, #tpu.memory_space<vmem>>) semaphore(%arg16 : memref<!tpu.dma_semaphore, #tpu.memory_space<semaphore_mem>>)
        %dma_start3A_243 = arith.constant 0 : i32
        %dma_start3A_244 = tpu.memref_slice %arg8[%add3A_233, %dma_start3A_243] : memref<50x128xi32, #tpu.memory_space<vmem>> -> memref<1x128xi32, #tpu.memory_space<vmem>>
        %dma_start3A_245 = tpu.memref_squeeze %dma_start3A_244 : memref<1x128xi32, #tpu.memory_space<vmem>> -> memref<128xi32, #tpu.memory_space<vmem>>
        %dma_start3A_246 = arith.constant 0 : i32
        %dma_start3A_247 = arith.constant 0 : i32
        %dma_start3A_248 = tpu.memref_slice %arg4[%dma_start3A_246, %dma_start3A_247] : memref<998977x32xf32, #tpu.memory_space<hbm>> -> memref<998977x32xf32, #tpu.memory_space<hbm>>
        tpu.enqueue_indirect_dma source(%dma_start3A_248 : memref<998977x32xf32, #tpu.memory_space<hbm>>) target(%arg13 : memref<128x32xf32, #tpu.memory_space<vmem>>) offsets(%dma_start3A_245 : memref<128xi32, #tpu.memory_space<vmem>>) semaphore(%arg16 : memref<!tpu.dma_semaphore, #tpu.memory_space<semaphore_mem>>)
        %dma_start3A_249 = arith.constant 0 : i32
        %dma_start3A_250 = tpu.memref_slice %arg5[%add3A_236, %dma_start3A_249] : memref<204800x16xf32, #tpu.memory_space<hbm>> -> memref<128x16xf32, #tpu.memory_space<hbm>>
        %dma_start3A_251 = arith.constant 0 : i32
        %dma_start3A_252 = tpu.memref_slice %arg5[%add3A_236, %dma_start3A_251] : memref<204800x16xf32, #tpu.memory_space<hbm>> -> memref<128x16xf32, #tpu.memory_space<hbm>>
        tpu.enqueue_dma source(%dma_start3A_252 : memref<128x16xf32, #tpu.memory_space<hbm>>) target(%arg14 : memref<128x16xf32, #tpu.memory_space<vmem>>) target_semaphore(%arg16 : memref<!tpu.dma_semaphore, #tpu.memory_space<semaphore_mem>>)
      } else {
      }
    }
    %scan3A_52 = arith.constant 25 : i32
    %add3A_53 = arith.constant 6144 : i32
    %add3A_54 = arith.addi %mul3A_2, %add3A_53 : i32
    %dma_wait3A = arith.constant 0 : i32
    %dma_wait3A_55 = tpu.memref_slice %arg6[%add3A_54, %dma_wait3A] : memref<204800x128xf32, #tpu.memory_space<hbm>> -> memref<128x64xf32, #tpu.memory_space<hbm>>
    %dma_wait3A_56 = arith.constant 0 : i32
    %dma_wait3A_57 = tpu.memref_slice %arg6[%add3A_54, %dma_wait3A_56] : memref<204800x128xf32, #tpu.memory_space<hbm>> -> memref<128x64xf32, #tpu.memory_space<hbm>>
    tpu.wait_dma2 semaphore(%arg17 : memref<!tpu.dma_semaphore, #tpu.memory_space<semaphore_mem>>) src(%arg9 : memref<128x64xf32, #tpu.memory_space<vmem>>) dst(%dma_wait3A_57 : memref<128x64xf32, #tpu.memory_space<hbm>>)
    %dma_wait3A_58 = arith.constant 64 : i32
    %dma_wait3A_59 = tpu.memref_slice %arg6[%add3A_54, %dma_wait3A_58] : memref<204800x128xf32, #tpu.memory_space<hbm>> -> memref<128x32xf32, #tpu.memory_space<hbm>>
    %dma_wait3A_60 = arith.constant 64 : i32
    %dma_wait3A_61 = tpu.memref_slice %arg6[%add3A_54, %dma_wait3A_60] : memref<204800x128xf32, #tpu.memory_space<hbm>> -> memref<128x32xf32, #tpu.memory_space<hbm>>
    tpu.wait_dma2 semaphore(%arg17 : memref<!tpu.dma_semaphore, #tpu.memory_space<semaphore_mem>>) src(%arg10 : memref<128x32xf32, #tpu.memory_space<vmem>>) dst(%dma_wait3A_61 : memref<128x32xf32, #tpu.memory_space<hbm>>)
    %dma_wait3A_62 = arith.constant 96 : i32
    %dma_wait3A_63 = tpu.memref_slice %arg6[%add3A_54, %dma_wait3A_62] : memref<204800x128xf32, #tpu.memory_space<hbm>> -> memref<128x16xf32, #tpu.memory_space<hbm>>
    %dma_wait3A_64 = arith.constant 96 : i32
    %dma_wait3A_65 = tpu.memref_slice %arg6[%add3A_54, %dma_wait3A_64] : memref<204800x128xf32, #tpu.memory_space<hbm>> -> memref<128x16xf32, #tpu.memory_space<hbm>>
    tpu.wait_dma2 semaphore(%arg17 : memref<!tpu.dma_semaphore, #tpu.memory_space<semaphore_mem>>) src(%arg11 : memref<128x16xf32, #tpu.memory_space<vmem>>) dst(%dma_wait3A_65 : memref<128x16xf32, #tpu.memory_space<hbm>>)
    %dma_wait3A_66 = arith.constant 112 : i32
    %dma_wait3A_67 = tpu.memref_slice %arg6[%add3A_54, %dma_wait3A_66] : memref<204800x128xf32, #tpu.memory_space<hbm>> -> memref<128x16xf32, #tpu.memory_space<hbm>>
    %dma_wait3A_68 = arith.constant 112 : i32
    %dma_wait3A_69 = tpu.memref_slice %arg6[%add3A_54, %dma_wait3A_68] : memref<204800x128xf32, #tpu.memory_space<hbm>> -> memref<128x16xf32, #tpu.memory_space<hbm>>
    tpu.wait_dma2 semaphore(%arg17 : memref<!tpu.dma_semaphore, #tpu.memory_space<semaphore_mem>>) src(%arg11 : memref<128x16xf32, #tpu.memory_space<vmem>>) dst(%dma_wait3A_69 : memref<128x16xf32, #tpu.memory_space<hbm>>)
    %add3A_70 = arith.constant 6272 : i32
    %add3A_71 = arith.addi %mul3A_2, %add3A_70 : i32
    %dma_wait3A_72 = arith.constant 0 : i32
    %dma_wait3A_73 = tpu.memref_slice %arg6[%add3A_71, %dma_wait3A_72] : memref<204800x128xf32, #tpu.memory_space<hbm>> -> memref<128x64xf32, #tpu.memory_space<hbm>>
    %dma_wait3A_74 = arith.constant 0 : i32
    %dma_wait3A_75 = tpu.memref_slice %arg6[%add3A_71, %dma_wait3A_74] : memref<204800x128xf32, #tpu.memory_space<hbm>> -> memref<128x64xf32, #tpu.memory_space<hbm>>
    tpu.wait_dma2 semaphore(%arg18 : memref<!tpu.dma_semaphore, #tpu.memory_space<semaphore_mem>>) src(%arg12 : memref<128x64xf32, #tpu.memory_space<vmem>>) dst(%dma_wait3A_75 : memref<128x64xf32, #tpu.memory_space<hbm>>)
    %dma_wait3A_76 = arith.constant 64 : i32
    %dma_wait3A_77 = tpu.memref_slice %arg6[%add3A_71, %dma_wait3A_76] : memref<204800x128xf32, #tpu.memory_space<hbm>> -> memref<128x32xf32, #tpu.memory_space<hbm>>
    %dma_wait3A_78 = arith.constant 64 : i32
    %dma_wait3A_79 = tpu.memref_slice %arg6[%add3A_71, %dma_wait3A_78] : memref<204800x128xf32, #tpu.memory_space<hbm>> -> memref<128x32xf32, #tpu.memory_space<hbm>>
    tpu.wait_dma2 semaphore(%arg18 : memref<!tpu.dma_semaphore, #tpu.memory_space<semaphore_mem>>) src(%arg13 : memref<128x32xf32, #tpu.memory_space<vmem>>) dst(%dma_wait3A_79 : memref<128x32xf32, #tpu.memory_space<hbm>>)
    %dma_wait3A_80 = arith.constant 96 : i32
    %dma_wait3A_81 = tpu.memref_slice %arg6[%add3A_71, %dma_wait3A_80] : memref<204800x128xf32, #tpu.memory_space<hbm>> -> memref<128x16xf32, #tpu.memory_space<hbm>>
    %dma_wait3A_82 = arith.constant 96 : i32
    %dma_wait3A_83 = tpu.memref_slice %arg6[%add3A_71, %dma_wait3A_82] : memref<204800x128xf32, #tpu.memory_space<hbm>> -> memref<128x16xf32, #tpu.memory_space<hbm>>
    tpu.wait_dma2 semaphore(%arg18 : memref<!tpu.dma_semaphore, #tpu.memory_space<semaphore_mem>>) src(%arg14 : memref<128x16xf32, #tpu.memory_space<vmem>>) dst(%dma_wait3A_83 : memref<128x16xf32, #tpu.memory_space<hbm>>)
    %dma_wait3A_84 = arith.constant 112 : i32
    %dma_wait3A_85 = tpu.memref_slice %arg6[%add3A_71, %dma_wait3A_84] : memref<204800x128xf32, #tpu.memory_space<hbm>> -> memref<128x16xf32, #tpu.memory_space<hbm>>
    %dma_wait3A_86 = arith.constant 112 : i32
    %dma_wait3A_87 = tpu.memref_slice %arg6[%add3A_71, %dma_wait3A_86] : memref<204800x128xf32, #tpu.memory_space<hbm>> -> memref<128x16xf32, #tpu.memory_space<hbm>>
    tpu.wait_dma2 semaphore(%arg18 : memref<!tpu.dma_semaphore, #tpu.memory_space<semaphore_mem>>) src(%arg14 : memref<128x16xf32, #tpu.memory_space<vmem>>) dst(%dma_wait3A_87 : memref<128x16xf32, #tpu.memory_space<hbm>>)
    return
  }
}

module attributes {stable_mosaic.version = 14 : i64} {
  func.func @_tc_body(%arg0: i32, %arg1: memref<512x128xf32, #tpu.memory_space<vmem>>, %arg2: memref<512x1xi32, #tpu.memory_space<vmem>>, %arg3: memref<128x128xf32, #tpu.memory_space<vmem>>, %arg4: memref<128x128xf32, #tpu.memory_space<vmem>>, %arg5: memref<1025x128xf32, #tpu.memory_space<vmem>>, %arg6: memref<1x128xf32, #tpu.memory_space<vmem>>, %arg7: memref<512x128xf32, #tpu.memory_space<vmem>>) attributes {dimension_semantics = [#tpu.dimension_semantics<arbitrary>], iteration_bounds = array<i64: 400>, scalar_prefetch = 0 : i64, scratch_operands = 0 : i64, tpu.core_type = #tpu.core_type<tc>, window_params = [{transform_indices = @transform_0, window_bounds = array<i64: 512, 128>}, {transform_indices = @transform_1, window_bounds = array<i64: 512, 1>}, {pipeline_mode = #tpu.pipeline_mode<synchronous>, transform_indices = @transform_2, window_bounds = array<i64: 128, 128>}, {pipeline_mode = #tpu.pipeline_mode<synchronous>, transform_indices = @transform_3, window_bounds = array<i64: 128, 128>}, {pipeline_mode = #tpu.pipeline_mode<synchronous>, transform_indices = @transform_4, window_bounds = array<i64: 1025, 128>}, {pipeline_mode = #tpu.pipeline_mode<synchronous>, transform_indices = @transform_5, window_bounds = array<i64: 1, 128>}, {transform_indices = @transform_6, window_bounds = array<i64: 512, 128>}]} {
    %get3A = arith.constant 0 : index
    %get3A_0 = arith.constant 0 : index
    %get3A_1 = vector.load %arg2[%get3A, %get3A_0] : memref<512x1xi32, #tpu.memory_space<vmem>>, vector<512x1xi32>
    %get3A_2 = arith.constant 0 : index
    %get3A_3 = arith.constant 0 : index
    %get3A_4 = vector.load %arg1[%get3A_2, %get3A_3] : memref<512x128xf32, #tpu.memory_space<vmem>>, vector<512x128xf32>
    %get3A_5 = arith.constant 0 : index
    %get3A_6 = arith.constant 0 : index
    %get3A_7 = vector.load %arg3[%get3A_5, %get3A_6] : memref<128x128xf32, #tpu.memory_space<vmem>>, vector<128x128xf32>
    %dot_general3A = arith.constant dense<0.000000e+00> : vector<512x128xf32>
    %dot_general3A_8 = tpu.matmul %get3A_4, %get3A_7, %dot_general3A {dimension_numbers = #tpu.dot_dimension_numbers<[1], [0], [0], [1], [0, 0, 1, 1], [], []>, transpose_lhs_hint = false} : vector<512x128xf32>, vector<128x128xf32>, vector<512x128xf32> -> vector<512x128xf32>
    %get3A_9 = arith.constant 0 : index
    %get3A_10 = arith.constant 0 : index
    %get3A_11 = vector.load %arg4[%get3A_9, %get3A_10] : memref<128x128xf32, #tpu.memory_space<vmem>>, vector<128x128xf32>
    %dot_general3A_12 = arith.constant dense<0.000000e+00> : vector<512x128xf32>
    %dot_general3A_13 = tpu.matmul %get3A_4, %get3A_11, %dot_general3A_12 {dimension_numbers = #tpu.dot_dimension_numbers<[1], [0], [0], [1], [0, 0, 1, 1], [], []>, transpose_lhs_hint = false} : vector<512x128xf32>, vector<128x128xf32>, vector<512x128xf32> -> vector<512x128xf32>
    %gt3A = arith.constant 1024 : i32
    %gt3A_14 = vector.broadcast %gt3A : i32 to vector<512x1xi32>
    %gt3A_15 = arith.cmpi sgt, %get3A_1, %gt3A_14 : vector<512x1xi32>
    %jit3A = arith.constant -1 : i32
    %broadcast_in_dim3A = vector.broadcast %jit3A : i32 to vector<512x1xi32>
    %select_n3A = arith.select %gt3A_15, %broadcast_in_dim3A, %get3A_1 : vector<512x1xi1>, vector<512x1xi32>
    %iota3A = tpu.iota {dimensions = array<i32: 1>} : vector<1x1025xi32>
    %eq3A = vector.broadcast %select_n3A : vector<512x1xi32> to vector<512x1025xi32>
    %eq3A_16 = vector.broadcast %iota3A : vector<1x1025xi32> to vector<512x1025xi32>
    %eq3A_17 = arith.cmpi eq, %eq3A, %eq3A_16 : vector<512x1025xi32>
    %convert_element_type3A = arith.extui %eq3A_17 : vector<512x1025xi1> to vector<512x1025xi32>
    %convert_element_type3A_18 = arith.sitofp %convert_element_type3A : vector<512x1025xi32> to vector<512x1025xf32>
    %get3A_19 = arith.constant 0 : index
    %get3A_20 = arith.constant 0 : index
    %get3A_21 = vector.load %arg5[%get3A_19, %get3A_20] : memref<1025x128xf32, #tpu.memory_space<vmem>>, vector<1025x128xf32>
    %dot_general3A_22 = arith.constant dense<0.000000e+00> : vector<512x128xf32>
    %dot_general3A_23 = tpu.matmul %convert_element_type3A_18, %get3A_21, %dot_general3A_22 {dimension_numbers = #tpu.dot_dimension_numbers<[1], [0], [0], [1], [0, 0, 1, 1], [], []>, transpose_lhs_hint = false} : vector<512x1025xf32>, vector<1025x128xf32>, vector<512x128xf32> -> vector<512x128xf32>
    %gt3A_24 = arith.constant 1024 : i32
    %gt3A_25 = vector.broadcast %gt3A_24 : i32 to vector<512x1xi32>
    %gt3A_26 = arith.cmpi sgt, %get3A_1, %gt3A_25 : vector<512x1xi32>
    %broadcast_in_dim3A_27 = vector.shape_cast %gt3A_26 : vector<512x1xi1> to vector<512x1xi1>
    %broadcast_in_dim3A_28 = vector.broadcast %broadcast_in_dim3A_27 : vector<512x1xi1> to vector<512x128xi1>
    %select_n3A_29 = arith.select %broadcast_in_dim3A_28, %dot_general3A_13, %dot_general3A_23 : vector<512x128xi1>, vector<512x128xf32>
    %add3A = arith.addf %dot_general3A_8, %select_n3A_29 : vector<512x128xf32>
    %get3A_30 = arith.constant 0 : index
    %get3A_31 = arith.constant 0 : index
    %get3A_32 = vector.load %arg6[%get3A_30, %get3A_31] : memref<1x128xf32, #tpu.memory_space<vmem>>, vector<1x128xf32>
    %add3A_33 = vector.broadcast %get3A_32 : vector<1x128xf32> to vector<512x128xf32>
    %add3A_34 = arith.addf %add3A, %add3A_33 : vector<512x128xf32>
    %mul3A = arith.mulf %add3A_34, %add3A_34 : vector<512x128xf32>
    %reduce_sum3A = arith.constant dense<0.000000e+00> : vector<512xf32>
    %reduce_sum3A_35 = vector.multi_reduction <add>, %mul3A, %reduce_sum3A [1] : vector<512x128xf32> to vector<512xf32>
    %broadcast_in_dim3A_36 = vector.shape_cast %reduce_sum3A_35 : vector<512xf32> to vector<512x1xf32>
    %sqrt3A = math.sqrt %broadcast_in_dim3A_36 : vector<512x1xf32>
    %max3A = arith.constant 9.99999996E-13 : f32
    %max3A_37 = vector.broadcast %max3A : f32 to vector<512x1xf32>
    %max3A_38 = arith.maximumf %sqrt3A, %max3A_37 : vector<512x1xf32>
    %div3A = vector.broadcast %max3A_38 : vector<512x1xf32> to vector<512x128xf32>
    %div3A_39 = arith.divf %add3A_34, %div3A : vector<512x128xf32>
    %swap3A = arith.constant 0 : index
    %swap3A_40 = arith.constant 0 : index
    %swap3A_41 = vector.load %arg7[%swap3A, %swap3A_40] : memref<512x128xf32, #tpu.memory_space<vmem>>, vector<512x128xf32>
    tpu.vector_store %arg7[%swap3A, %swap3A_40], %div3A_39 {strides = array<i32>} : memref<512x128xf32, #tpu.memory_space<vmem>>, vector<512x128xf32>,
    return
  }
  func.func @transform_0(%arg0: i32) -> (i32, i32) {
    %c0_i32 = arith.constant 0 : i32
    %c0_i32_0 = arith.constant 0 : i32
    return %arg0, %c0_i32 : i32, i32
  }
  func.func @transform_1(%arg0: i32) -> (i32, i32) {
    %c0_i32 = arith.constant 0 : i32
    %c0_i32_0 = arith.constant 0 : i32
    return %arg0, %c0_i32 : i32, i32
  }
  func.func @transform_2(%arg0: i32) -> (i32, i32) {
    %c0_i32 = arith.constant 0 : i32
    %c0_i32_0 = arith.constant 0 : i32
    %c0_i32_1 = arith.constant 0 : i32
    return %c0_i32, %c0_i32_0 : i32, i32
  }
  func.func @transform_3(%arg0: i32) -> (i32, i32) {
    %c0_i32 = arith.constant 0 : i32
    %c0_i32_0 = arith.constant 0 : i32
    %c0_i32_1 = arith.constant 0 : i32
    return %c0_i32, %c0_i32_0 : i32, i32
  }
  func.func @transform_4(%arg0: i32) -> (i32, i32) {
    %c0_i32 = arith.constant 0 : i32
    %c0_i32_0 = arith.constant 0 : i32
    %c0_i32_1 = arith.constant 0 : i32
    return %c0_i32, %c0_i32_0 : i32, i32
  }
  func.func @transform_5(%arg0: i32) -> (i32, i32) {
    %c0_i32 = arith.constant 0 : i32
    %c0_i32_0 = arith.constant 0 : i32
    %c0_i32_1 = arith.constant 0 : i32
    return %c0_i32, %c0_i32_0 : i32, i32
  }
  func.func @transform_6(%arg0: i32) -> (i32, i32) {
    %c0_i32 = arith.constant 0 : i32
    %c0_i32_0 = arith.constant 0 : i32
    return %arg0, %c0_i32 : i32, i32
  }
}

</mosaic_0001>

<sc_bundles>
// kernel: kernel.4.cloned.1.call-start
scs
__scs_entry_jumppad:
0x0: {  	(pc) =	sbr.rel $0x88, $3  }
0x1: {  	(tag) =	ssettag $0x0;
	lr =	simm.s32 $0x1  }
0x2: {  	[smem:$0x3F97] =	sst lr;
	_ =	strace $0xD0000000  }
0x3: {  	_ = 	snop  }
0x4: {  	_ = 	snop  }
0x5: {  	_ = 	snop  }
0x6: {  	_ = 	snop  }
0x7: {  	_ = 	snop  }
__scs_overlays_trampoline_lowered:
0x8: {  	[smem:$0x3FA6] =	sst s0  }
0x9: {  	[smem:$0x3FA7] =	sst s1  }
0xa: {  	[smem:$0x3FA8] =	sst s2  }
0xb: {  	[smem:$0x3FA9] =	sst s3  }
0xc: {  	[smem:$0x3FAA] =	sst s4  }
0xd: {  	[smem:$0x3FAB] =	sst s5  }
0xe: {  	[smem:$0x3FAC] =	sst s6  }
0xf: {  	[smem:$0x3FAD] =	sst s7  }
0x10: {  	[smem:$0x3FAE] =	sst s8  }
0x11: {  	[smem:$0x3FAF] =	sst s9;
	s0 =	simm.s32 @!p0 $0x0  }
0x12: {  	s1 =	sld [smem:$0x3F95];
	s0 =	simm.s32 @p0 $0x1  }
0x13: {  	[smem:$0x3FB0] =	sst s0;
	s0 =	simm.s32 @!p1 $0x0  }
0x14: {  	s2 =	sld [smem:$0x3F94];
	s0 =	simm.s32 @p1 $0x1  }
0x15: {  	[smem:$0x3FB1] =	sst s0;
	s0 =	simm.s32 @!p2 $0x0  }
0x16: {  	s3 =	sld [smem:$0x3FDB];
	s0 =	simm.s32 @p2 $0x1  }
0x17: {  	s4 =	simm.s32 $0x1BF5;
	[smem:$0x3FB3] =	sst s0  }
0x18: {  	s0 =	sld [smem:$0x3F96];
	_ =	swait.ge [sflag:s4], $0x0  }
0x19: {  	s7 =	sld [smem:$0x3F97]  }
0x1a: {  	s8 =	sadd.s32 $0xFFFFE003, lr  }
0x1b: {  	s9 =	sadd.s32 $0xFFFFFEF7, lr;
	s5 =	simm.s32 $0xFFFFFFFF;
	p2 =	slt.u32 s8, $0xFFFFF086  }
0x1c: {  	p1 =	slt.u32 s9, $0xF7A;
	s5 =	simm.s32 @!p2 $0x0  }
0x1d: {  	s5 =	simm.s32 @p1 $0x1;
	p0 =	seq.s32 s7, s2  }
0x1e: {  	s7 =	smul.u32 @!p0 $0xF7A, s2;
	p2 =	seq.s32 @!p0 s5, $0x0  }
0x1f: {  	s9 =	smul.u32 $0xF7A, s1;
	s8 =	simm.s32 @!p0 $0x1BF5;
	p2 =	por !p2, p0  }
0x20: {  	[sflag:s8] =	ssyncset.s32 @!p0 $0xFFFFF086;
	s6 =	sadd.s32 @!p0 s3, s7;
	s7 =	simm.s32 @!p0 $0x108  }
0x21: {  	s3 =	sadd.s32 s3, s9;
	s6 =	sadd.s32 @!p0 $0x88, s6;
	s7 =	simm.s32 @p2 $0x1082  }
0x22: {  	[simem:s7], [sflag:s8] =	dma.local @!p0 [hbm:s6], $0xF7A  }
0x23: {  	s9 =	sor.u32 $0xD0000000, s2;
	s6 =	simm.s32 $0x108;
	_ =	swait.ge @!p0 [sflag:s8], $0x0  }
0x24: {  	s3 =	sadd.s32 $0x88, s3;
	s6 =	simm.s32 @!p1 $0x1082;
	[sflag:s4] =	ssyncset.s32 $0xFFFFF086  }
0x25: {  	[simem:s6], [sflag:s4] =	dma.local [hbm:s3], $0xF7A  }
0x26: {  	[smem:$0x3F97] =	sst s1;
	(tag) =	ssettag s2;
	_ =	strace s9  }
0x27: {  	s1 =	sld [smem:$0x3FA7]  }
0x28: {  	s2 =	sld [smem:$0x3FA8]  }
0x29: {  	s4 =	sld [smem:$0x3FAA]  }
0x2a: {  	p0 =	seq.s32 s5, $0x0;
	s5 =	sld [smem:$0x3FAB]  }
0x2b: {  	s6 =	sld [smem:$0x3FAC]  }
0x2c: {  	s7 =	sld [smem:$0x3FAD]  }
0x2d: {  	s3 =	simm.s32 $0x108;
	s8 =	sld [smem:$0x3FAE]  }
0x2e: {  	s3 =	simm.s32 @!p0 $0x1082;
	s9 =	sld [smem:$0x3FAF]  }
0x2f: {  	lr =	sadd.s32 s0, s3;
	s0 =	sld [smem:$0x3FA6]  }
0x30: {  	s3 =	sld [smem:$0x3FA9]  }
0x31: {  	[smem:$0x3FB2] =	sst s10  }
0x32: {  	s10 =	sld [smem:$0x3FB0];
	_ =	sdelay $0x3  }
0x33: {  	p0 =	seq.s32 s10, $0x1;
	s10 =	sld [smem:$0x3FB2];
	_ =	sdelay $0x3  }
0x34: {  	[smem:$0x3FB2] =	sst s10  }
0x35: {  	s10 =	sld [smem:$0x3FB1];
	_ =	sdelay $0x3  }
0x36: {  	p1 =	seq.s32 s10, $0x1;
	s10 =	sld [smem:$0x3FB2];
	_ =	sdelay $0x3  }
0x37: {  	[smem:$0x3FB2] =	sst s10  }
0x38: {  	s10 =	sld [smem:$0x3FB3]  }
0x39: {  	_ = 	snop;
	(pc) =	sbr.ind lr, $3  }
0x3a: {  	_ = 	snop  }
0x3b: {  	_ = 	snop  }
0x3c: {  	p2 =	seq.s32 s10, $0x1;
	s10 =	sld [smem:$0x3FB2]  }
0x3d: {  	_ =	shalt  }
0x3e: {  	_ =	shalt  }
0x3f: {  	_ =	shalt  }
0x40: {  	_ =	shalt  }
0x41: {  	_ =	shalt  }
0x42: {  	_ =	shalt  }
0x43: {  	_ =	shalt  }
0x44: {  	_ =	shalt  }
0x45: {  	_ =	shalt  }
0x46: {  	_ =	shalt  }
0x47: {  	_ =	shalt  }
0x48: {  	_ =	shalt  }
0x49: {  	_ =	shalt  }
0x4a: {  	_ =	shalt  }
0x4b: {  	_ =	shalt  }
0x4c: {  	_ =	shalt  }
0x4d: {  	_ =	shalt  }
0x4e: {  	_ =	shalt  }
0x4f: {  	_ =	shalt  }
0x50: {  	_ =	shalt  }
0x51: {  	_ =	shalt  }
0x52: {  	_ =	shalt  }
0x53: {  	_ =	shalt  }
0x54: {  	_ =	shalt  }
0x55: {  	_ =	shalt  }
0x56: {  	_ =	shalt  }
0x57: {  	_ =	shalt  }
0x58: {  	_ =	shalt  }
0x59: {  	_ =	shalt  }
0x5a: {  	_ =	shalt  }
0x5b: {  	_ =	shalt  }
0x5c: {  	_ =	shalt  }
0x5d: {  	_ =	shalt  }
0x5e: {  	_ =	shalt  }
0x5f: {  	_ =	shalt  }
0x60: {  	_ =	shalt  }
0x61: {  	_ =	shalt  }
0x62: {  	_ =	shalt  }
0x63: {  	_ =	shalt  }
0x64: {  	_ =	shalt  }
0x65: {  	_ =	shalt  }
0x66: {  	_ =	shalt  }
0x67: {  	_ =	shalt  }
0x68: {  	_ =	shalt  }
0x69: {  	_ =	shalt  }
0x6a: {  	_ =	shalt  }
0x6b: {  	_ =	shalt  }
0x6c: {  	_ =	shalt  }
0x6d: {  	_ =	shalt  }
0x6e: {  	_ =	shalt  }
0x6f: {  	_ =	shalt  }
0x70: {  	_ =	shalt  }
0x71: {  	_ =	shalt  }
0x72: {  	_ =	shalt  }
0x73: {  	_ =	shalt  }
0x74: {  	_ =	shalt  }
0x75: {  	_ =	shalt  }
0x76: {  	_ =	shalt  }
0x77: {  	_ =	shalt  }
0x78: {  	_ =	shalt  }
0x79: {  	_ =	shalt  }
0x7a: {  	_ =	shalt  }
0x7b: {  	_ =	shalt  }
0x7c: {  	_ =	shalt  }
0x7d: {  	_ =	shalt  }
0x7e: {  	_ =	shalt  }
0x7f: {  	_ =	shalt  }
0x80: {  	_ =	shalt  }
0x81: {  	_ =	shalt  }
0x82: {  	_ =	shalt  }
0x83: {  	_ =	shalt  }
0x84: {  	_ =	shalt  }
0x85: {  	_ =	shalt  }
0x86: {  	_ =	shalt  }
0x87: {  	_ =	shalt  }
.Lfunc_end0:
.L_simem_size_0:
called_computation.1_lowered:
.L_overlay_start_0:
0x88: {  	s2 =	sld [smem:$0x3FD9]  }
0x89: {  	s3 =	sld [smem:$0x3FFE];
	_ =	sdelay $0x1  }
0x8a: {  	s1 =	srdreg.scid  }
0x8b: {  	s0 =	sand.u32 $0x1, s1  }
0x8c: {  	s16 =	sshll.u32 s0, $0xA;
	s2 =	sadd.s32 s3, s2  }
0x8d: {  	s2 =	sadd.s32 s2, s16  }
0x8e: {  	[smem:$0x3FBE] =	sst s2  }
0x8f: {  	_ = 	snop  }
0x90: {  	(tm) =	ssettm $0x1  }
0x91: {  	s17 =	sld [smem:$0x3FFB];
	_ =	sdelay $0x3  }
0x92: {  	_ =	strace s17  }
0x93: {  	s2 =	sld [smem:$0x3FFC];
	_ =	sdelay $0x3  }
0x94: {  	_ =	strace s2  }
0x95: {  	s2 =	sld [smem:$0x3FFD];
	_ =	sdelay $0x3  }
0x96: {  	_ =	strace s2  }
0x97: {  	_ =	strace $0x8FFFFFFF  }
0x98: {  	s18 =	sld [smem:$0x3FDB];
	_ =	sdelay $0x1  }
0x99: {  	s19 =	simm.s32 $_scs_section_size  }
0x9a: {  	s4 =	simm.s32 $_size__tile_overlayer_lowered;
	s5 =	simm.s32 $_tile_overlayer_lowered  }
0x9b: {  	s22 =	simm.s32 $0x1BFF;
	s21 =	sshll.u32 s5, $0x1;
	s2 =	sadd.s32 s19, s18  }
0x9c: {  	s6 =	simm.s32 $0x0;
	s20 =	sshll.u32 s4, $0x1;
	s4 =	sadd.s32 s21, s2  }
0x9d: {  	[timem:s6], [sflag:s22] =	dma.local [hbm:s4], s20  }
0x9e: {  	_ =	swait.ge [sflag:s22], s20  }
0x9f: {  	s3 =	ssub.s32 $0x0, s20;
	[sflag:s22] =	ssyncset.done $0x0  }
0xa0: {  	[sflag:s22] =	ssyncadd.s32 s3;
	_ =	sdelay $0x1  }
0xa1: {  	s23 =	simm.s32 $0x1B8B  }
0xa2: {  	_ =	swait.ge [sflag:s23], $0x1  }
0xa3: {  	[sflag:s23] =	ssyncset.done $0x0  }
0xa4: {  	s25 =	simm.s32 $0x1B8E;
	s24 =	sld [smem:$0x3FFE];
	[sflag:s23] =	ssyncadd.s32 $0xFFFFFFFF  }
0xa5: {  	s26 =	simm.s32 $execute0_lowered;
	[smem:$0x3FD2] =	sst s25  }
0xa6: {  	s4 =	sshll.u32 s26, $0x1;
	_ =	strace $0x80000046;
	[dreg:$0x1] =	wrdreg $0xFFFFFFFF  }
0xa7: {  	s28 =	simm.s32 $_size_execute0_lowered;
	s2 =	sadd.s32 s2, s4;
	[dreg:$0x0] =	wrdreg $0x0  }
0xa8: {  	s4 =	sshll.u32 s28, $0x1;
	[dreg:$0x2] =	wrdreg s2  }
0xa9: {  	[dreg:$0x3] =	wrdreg s4  }
0xaa: {  	[dreg:$0x4] =	wrdreg $0xC0  }
0xab: {  	_ =	task [dreg:s6], $0x5FFFF  }
0xac: {  	[dreg:$0x1] =	wrdreg $0xFFFFFFFF  }
0xad: {  	[dreg:$0x0] =	wrdreg $0x60  }
0xae: {  	[dreg:$0x2] =	wrdreg s24  }
0xaf: {  	[dreg:$0x3] =	wrdreg $0x9  }
0xb0: {  	_ =	task.clear_ibuf [dreg:s6], $0x4FFFF;
	_ =	strace $0x90000046  }
0xb1: {  	s29 =	simm.s32 $0x9;
	_ =	strace $0x80000048  }
0xb2: {  	_ =	swait.ge [sflag:s29], $0x1  }
0xb3: {  	[sflag:s29] =	ssyncadd.s32 $0xFFFFFFFF  }
0xb4: {  	_ =	strace $0x90000048  }
0xb5: {  	_ =	sfence  }
0xb6: {  	s30 =	sld [smem:$0x0];
	_ =	sdelay $0x2  }
0xb7: {  	s31 =	sshll.u32 s1, $0xD;
	s1 =	sshrl.u32 s1, $0x2  }
0xb8: {  	s3 =	sand.u32 $0x4000, s31;
	s1 =	sadd.s32 s1, s30  }
0xb9: {  	s0 =	sor.u32 s3, s0;
	s1 =	sshll.u32 s1, $0x11  }
0xba: {  	s0 =	sor.u32 s1, s0  }
0xbb: {  	s0 =	sadd.s32 $0x8F2B, s0  }
0xbc: {  	[sflag:s0] =	ssyncadd.remote.s32 $0x1  }
0xbd: {  	_ =	sfence.sel $0xFFFF  }
0xbe: {  	[dreg:$0x0] =	wrdreg $0xFFFFFFFF;
	(pc) =	sbr.abs _section_cstart, $3  }
0xbf: {  	[dreg:$0x1] =	wrdreg $0xFFFFFFFF  }
0xc0: {  	_ =	task.clear_ibuf [dreg:s6], $0x2FFFF;
	_ =	strace $0x9FFFFFFF  }
0xc1: {  	(tm) =	ssettm $0x7FFFFFFF  }
tec
execute0_lowered:
.L_overlay_start_1:
0x0: {  	(tag) =	ssettag $0x1  }
0x1: {  	s0 =	srdreg.scid  }
0x2: {  	s13 =	stileid.u32;
	s1 =	rddreg [dreg:$0x0]  }
0x3: {  	s3 =	simm.s32 $0x0;
	s14 =	simm.s32 $0x80;
	s15 =	simm.s32 $0x3200  }
0x4: {  	s17 =	simm.s32 $0x5200;
	s18 =	simm.s32 $0x6200;
	s19 =	simm.s32 $0x6A00  }
0x5: {  	s21 =	simm.s32 $0x8A00;
	s28 =	simm.s32 $0x2;
	s9 =	smul.u32 $0x190000, s13  }
0x6: {  	s29 =	simm.s32 $0x3;
	s30 =	simm.s32 $0x4;
	s12 =	smul.u32 $0x3200, s13  }
0x7: {  	s31 =	simm.s32 $0x0;
	s0 =	sand.u32 $0x1, s0;
	s26 =	smul.u32 $0x32000, s13  }
0x8: {  	s2 =	sshll.u32 s13, $0x1;
	[smem:$0x7FF] =	sst s3;
	s11 =	smul.u32 $0xC8000, s0  }
0x9: {  	s3 =	sadd.s32 $0xF5A200, s1;
	s2 =	sor.u32 s0, s2;
	s24 =	smul.u32 $0x1900, s0  }
0xa: {  	s10 =	sadd.s32 $0x17E00, s1;
	s5 =	ssub.s32 $0x2, s0;
	s22 =	smul.u32 $0x1900, s2  }
0xb: {  	s13 =	simm.s32 $0x5;
	s2 =	smul.u32 $0x3200, s2;
	s7 =	sshrl.u32 s5, $0x1  }
0xc: {  	_ =	strace $0x80000047;
	s0 =	smul.u32 $0x19000, s0;
	s8 =	ssub.s32 s5, s7  }
0xd: {  	s9 =	sadd.s32 s11, s9;
	s4 =	sshrl.u32 s22, $0x3;
	s23 =	sadd.s32 s10, s2  }
0xe: {  	s25 =	smax.u32 s8, $0x1;
	s2 =	sadd.s32 s24, s12;
	s9 =	sshrl.u32 s9, $0x3  }
0xf: {  	s22 =	simm.s32 $0x9A00;
	s24 =	simm.s32 $0x40;
	s6 =	sadd.s32 s4, s1  }
0x10: {  	s4 =	sadd.s32 $0x16FB400, s1;
	s1 =	sadd.s32 $0x7BE00, s1;
	[dreg:$0x2] =	wrdreg s23  }
0x11: {  	s5 =	sadd.s32 $0x100, s23;
	[dreg:$0x5] =	wrdreg s25;
	s2 =	sshll.u32 s2, $0x1  }
0x12: {  	s23 =	simm.s32 $0x1;
	s25 =	simm.s32 $0x20;
	s6 =	sadd.s32 $0x11A00, s6  }
0x13: {  	[dreg:$0x4] =	wrdreg s5;
	s9 =	sadd.s32 s9, s1;
	s1 =	sadd.s32 s26, s1  }
0x14: {  	s2 =	sadd.s32 s10, s2;
	s26 =	simm.s32 $0x10;
	[dreg:$0x3] =	wrdreg s6  }
0x15: {  	v0 =	vimm.s32 $0xF3A40;
	s10 =	sadd.s32 s0, s1;
	s20 =	sadd.s32 $0x200, s2;
	s16 =	sadd.s32 $0x300, s2  }
.LBB2_1:
0x16: {  	s0 =	simm.s32 $0x0;
	s1 =	rddreg [dreg:$0x3]  }
0x17: {  	[tilespmem:s0], [sflag:$0x5] =	stream.linear.gather [hbm4b:s1+s0], $0x1900, $0x38;
	[tilespmem:$0xA200] =	vst v63  }
0x18: {  	_ =	swait.ge [sflag:s13], $0x1900  }
0x19: {  	[sflag:s13] =	ssyncset.done $0x0  }
0x1a: {  	s0 =	simm.s32 $0x0;
	[sflag:s13] =	ssyncadd.s32 $0xFFFFE700  }
0x1b: {  	v9 =	vld [tilespmem:s0+$0x70]  }
0x1c: {  	v7 =	vld [tilespmem:s0+$0x0]  }
0x1d: {  	v6 =	vld [tilespmem:s0+$0x10]  }
0x1e: {  	v5 =	vld [tilespmem:s0+$0x20]  }
0x1f: {  	v4 =	vld [tilespmem:s0+$0x30]  }
0x20: {  	v3 =	vld [tilespmem:s0+$0x40];
	vm0 =	vgt.s32 v9, $0x400  }
0x21: {  	v2 =	vld [tilespmem:s0+$0x50];
	vm1 =	vgt.s32 v7, $0x400;
	v10 =	vsel vm0, $0xFFFFFC00, v0  }
0x22: {  	s2 =	simm.s32 $0x400;
	s1 =	simm.s32 $0x80;
	v1 =	vld [tilespmem:s0+$0x60];
	v8 =	vsel vm1, $0xFFFFFC00, v0;
	vm0 =	vgt.s32 v6, $0x400;
	v9 =	vadd.s32 v9, v10  }
.LBB2_2:
0x23: {  	p0 =	sne.s32 s2, $0x6200;
	v10 =	vld [tilespmem:s1+$0x70];
	v8 =	vadd.s32 v7, v8;
	v11 =	vsel vm0, $0xFFFFFC00, v0;
	vm0 =	vgt.s32 v5, $0x400;
	[tilespmem:s0+$0x1970] =	vst v9  }
0x24: {  	v7 =	vld [tilespmem:s1+$0x0];
	[tilespmem:s0+$0x1900] =	vst v8;
	v8 =	vadd.s32 v6, v11;
	v9 =	vsel vm0, $0xFFFFFC00, v0;
	vm0 =	vgt.s32 v4, $0x400  }
0x25: {  	v6 =	vld [tilespmem:s1+$0x10];
	[tilespmem:s0+$0x1910] =	vst v8;
	v8 =	vadd.s32 v5, v9;
	v9 =	vsel vm0, $0xFFFFFC00, v0;
	vm0 =	vgt.s32 v3, $0x400  }
.Ltmp0:
0x26: {  	v5 =	vld [tilespmem:s1+$0x20];
	[tilespmem:s0+$0x1920] =	vst v8;
	v8 =	vadd.s32 v4, v9;
	v9 =	vsel vm0, $0xFFFFFC00, v0;
	vm0 =	vgt.s32 v2, $0x400;
	(pc) =	sbr.rel @p0 .LBB2_2-.Ltmp0, $4  }
0x27: {  	v4 =	vld [tilespmem:s1+$0x30];
	[tilespmem:s0+$0x1930] =	vst v8;
	v8 =	vadd.s32 v3, v9;
	v9 =	vsel vm0, $0xFFFFFC00, v0;
	vm0 =	vgt.s32 v1, $0x400  }
0x28: {  	v3 =	vld [tilespmem:s1+$0x40];
	vm1 =	vgt.s32 v10, $0x400;
	[tilespmem:s0+$0x1940] =	vst v8;
	v8 =	vadd.s32 v2, v9;
	v9 =	vsel vm0, $0xFFFFFC00, v0  }
0x29: {  	vm0 =	vgt.s32 v7, $0x400;
	v2 =	vld [tilespmem:s1+$0x50];
	v11 =	vsel vm1, $0xFFFFFC00, v0;
	[tilespmem:s0+$0x1950] =	vst v8;
	v12 =	vadd.s32 v1, v9  }
0x2a: {  	v8 =	vsel vm0, $0xFFFFFC00, v0;
	vm0 =	vgt.s32 v6, $0x400;
	v1 =	vld [tilespmem:s1+$0x60];
	v9 =	vadd.s32 v10, v11;
	[tilespmem:s0+$0x1960] =	vst v12;
	s0 =	smov.u32 s1;
	s1 =	sshra.s32 s2, $0x2;
	s2 =	sadd.s32 $0x200, s2  }
0x2b: {  	v10 =	vld [tilespmem:s1+$0x70];
	[tilespmem:s0+$0x1970] =	vst v9;
	v7 =	vadd.s32 v7, v8;
	v54 =	vsel vm0, $0xFFFFFC00, v0;
	vm4 =	vgt.s32 v5, $0x400  }
0x2c: {  	v53 =	vld [tilespmem:s1+$0x0];
	[tilespmem:s0+$0x1900] =	vst v7;
	v6 =	vadd.s32 v6, v54;
	v55 =	vsel vm4, $0xFFFFFC00, v0;
	vm5 =	vgt.s32 v4, $0x400  }
0x2d: {  	v7 =	vld [tilespmem:s1+$0x10];
	[tilespmem:s0+$0x1910] =	vst v6;
	v56 =	vadd.s32 v5, v55;
	v57 =	vsel vm5, $0xFFFFFC00, v0;
	vm6 =	vgt.s32 v3, $0x400  }
0x2e: {  	v6 =	vld [tilespmem:s1+$0x20];
	[tilespmem:s0+$0x1920] =	vst v56;
	v58 =	vadd.s32 v4, v57;
	v59 =	vsel vm6, $0xFFFFFC00, v0;
	vm7 =	vgt.s32 v2, $0x400  }
0x2f: {  	v5 =	vld [tilespmem:s1+$0x30];
	[tilespmem:s0+$0x1930] =	vst v58;
	v3 =	vadd.s32 v3, v59;
	v60 =	vsel vm7, $0xFFFFFC00, v0;
	vm8 =	vgt.s32 v1, $0x400  }
0x30: {  	v4 =	vld [tilespmem:s1+$0x40];
	[tilespmem:s0+$0x1940] =	vst v3;
	v2 =	vadd.s32 v2, v60;
	vm1 =	vgt.s32 v10, $0x400;
	v61 =	vsel vm8, $0xFFFFFC00, v0  }
0x31: {  	v3 =	vld [tilespmem:s1+$0x50];
	[tilespmem:s0+$0x1950] =	vst v2;
	vm9 =	vgt.s32 v53, $0x400;
	v2 =	vsel vm1, $0xFFFFFC00, v0;
	v1 =	vadd.s32 v1, v61  }
0x32: {  	v62 =	vld [tilespmem:s1+$0x60];
	v11 =	vsel vm9, $0xFFFFFC00, v0;
	vm10 =	vgt.s32 v7, $0x400;
	v2 =	vadd.s32 v10, v2;
	[tilespmem:s0+$0x1960] =	vst v1  }
0x33: {  	v1 =	vadd.s32 v53, v11;
	v63 =	vsel vm10, $0xFFFFFC00, v0;
	vm11 =	vgt.s32 v6, $0x400;
	[tilespmem:s1+$0x1970] =	vst v2  }
0x34: {  	[tilespmem:s1+$0x1900] =	vst v1;
	v1 =	vadd.s32 v7, v63;
	v2 =	vsel vm11, $0xFFFFFC00, v0;
	vm12 =	vgt.s32 v5, $0x400  }
0x35: {  	[tilespmem:s1+$0x1910] =	vst v1;
	v1 =	vadd.s32 v6, v2;
	v2 =	vsel vm12, $0xFFFFFC00, v0;
	vm13 =	vgt.s32 v4, $0x400  }
0x36: {  	[tilespmem:s1+$0x1920] =	vst v1;
	v1 =	vadd.s32 v5, v2;
	v2 =	vsel vm13, $0xFFFFFC00, v0;
	vm14 =	vgt.s32 v3, $0x400  }
0x37: {  	[tilespmem:s1+$0x1930] =	vst v1;
	v1 =	vadd.s32 v4, v2;
	v2 =	vsel vm14, $0xFFFFFC00, v0;
	vm15 =	vgt.s32 v62, $0x400  }
0x38: {  	[tilespmem:s1+$0x1940] =	vst v1;
	v1 =	vadd.s32 v3, v2;
	v2 =	vsel vm15, $0xFFFFFC00, v0  }
0x39: {  	[tilespmem:s1+$0x1950] =	vst v1;
	v1 =	vadd.s32 v62, v2  }
0x3a: {  	s0 =	simm.s32 $0x0;
	[tilespmem:s1+$0x1960] =	vst v1  }
0x3b: {  	[tilespmem:s15], [sflag:$0x1] =	stream.indirect.gather [hbm4b:s3+s14], $0x40, s0, s14, $0xb8;
	[tilespmem:$0xA200] =	vst v63  }
0x3c: {  	s7 =	simm.s32 $0x1900  }
0x3d: {  	[tilespmem:s17], [sflag:$0x1] =	stream.indirect.gather [hbm4b:s4+s14], $0x20, s7, s14, $0xb8;
	[tilespmem:$0xA200] =	vst v63  }
0x3e: {  	s8 =	rddreg [dreg:$0x2]  }
0x3f: {  	[tilespmem:s18], [sflag:$0x1] =	stream.linear.gather [hbm4b:s8+s0], $0x800, $0x38;
	[tilespmem:$0xA200] =	vst v63  }
0x40: {  	_ = 	snop  }
0x41: {  	[tilespmem:s19], [sflag:$0x2] =	stream.indirect.gather [hbm4b:s3+s14], $0x40, s14, s14, $0xb8;
	[tilespmem:$0xA200] =	vst v63  }
0x42: {  	s11 =	simm.s32 $0x1980  }
0x43: {  	[tilespmem:s21], [sflag:$0x2] =	stream.indirect.gather [hbm4b:s4+s14], $0x20, s11, s14, $0xb8;
	[tilespmem:$0xA200] =	vst v63  }
0x44: {  	s12 =	rddreg [dreg:$0x4];
	s2 =	simm.s32 $0x100  }
0x45: {  	[tilespmem:s22], [sflag:$0x2] =	stream.linear.gather [hbm4b:s12+s0], $0x800, $0x38;
	[tilespmem:$0xA200] =	vst v63  }
0x46: {  	s1 =	simm.s32 $0x1A00;
	s11 =	smov.u32 s20;
	s12 =	smov.u32 s16  }
.LBB2_4:
0x47: {  	_ =	swait.ge [sflag:s23], $0x2000  }
0x48: {  	[sflag:s23] =	ssyncset.done $0x0  }
0x49: {  	[sflag:s23] =	ssyncadd.s32 $0xFFFFE000  }
0x4a: {  	_ =	swait.ge [sflag:s23], $0x1000  }
0x4b: {  	[sflag:s23] =	ssyncset.done $0x0  }
0x4c: {  	[sflag:s23] =	ssyncadd.s32 $0xFFFFF000  }
0x4d: {  	_ =	swait.ge [sflag:s23], $0x800  }
0x4e: {  	[sflag:s23] =	ssyncset.done $0x0  }
0x4f: {  	s6 =	sadd.s32 s0, s9;
	[sflag:s23] =	ssyncadd.s32 $0xFFFFF800  }
0x50: {  	[hbm4b:s6+s24] =	stream.strided.scatter [tilespmem:s15], [sflag:$0x3], $0x2000, s14, s24, $0x38;
	[tilespmem:$0xA200] =	vst v63  }
0x51: {  	s7 =	sadd.s32 $0x8, s6  }
0x52: {  	[hbm4b:s7+s25] =	stream.strided.scatter [tilespmem:s17], [sflag:$0x3], $0x1000, s14, s25, $0x38;
	[tilespmem:$0xA200] =	vst v63  }
0x53: {  	s5 =	sadd.s32 $0xC, s6  }
0x54: {  	[hbm4b:s5+s26] =	stream.strided.scatter [tilespmem:s18], [sflag:$0x3], $0x800, s14, s26, $0x38;
	[tilespmem:$0xA200] =	vst v63  }
0x55: {  	s6 =	sadd.s32 $0xE, s6  }
0x56: {  	[hbm4b:s6+s26] =	stream.strided.scatter [tilespmem:s18], [sflag:$0x3], $0x800, s14, s26, $0x38;
	[tilespmem:$0xA200] =	vst v63  }
0x57: {  	_ =	swait.ge [sflag:s28], $0x2000  }
0x58: {  	[sflag:s28] =	ssyncset.done $0x0  }
0x59: {  	[sflag:s28] =	ssyncadd.s32 $0xFFFFE000  }
0x5a: {  	_ =	swait.ge [sflag:s28], $0x1000  }
0x5b: {  	[sflag:s28] =	ssyncset.done $0x0  }
0x5c: {  	[sflag:s28] =	ssyncadd.s32 $0xFFFFF000  }
0x5d: {  	_ =	swait.ge [sflag:s28], $0x800  }
0x5e: {  	s6 =	sadd.s32 s0, s10;
	[sflag:s28] =	ssyncset.done $0x0  }
0x5f: {  	s8 =	sadd.s32 $0x800, s6;
	[sflag:s28] =	ssyncadd.s32 $0xFFFFF800  }
0x60: {  	[hbm4b:s8+s24] =	stream.strided.scatter [tilespmem:s19], [sflag:$0x4], $0x2000, s14, s24, $0x38;
	[tilespmem:$0xA200] =	vst v63  }
0x61: {  	s5 =	sadd.s32 $0x808, s6  }
0x62: {  	[hbm4b:s5+s25] =	stream.strided.scatter [tilespmem:s21], [sflag:$0x4], $0x1000, s14, s25, $0x38;
	[tilespmem:$0xA200] =	vst v63  }
0x63: {  	s8 =	sadd.s32 $0x80C, s6  }
0x64: {  	[hbm4b:s8+s26] =	stream.strided.scatter [tilespmem:s22], [sflag:$0x4], $0x800, s14, s26, $0x38;
	[tilespmem:$0xA200] =	vst v63  }
0x65: {  	p0 =	seq.s32 s0, $0x18000;
	s6 =	sadd.s32 $0x80E, s6  }
0x66: {  	[hbm4b:s6+s26] =	stream.strided.scatter [tilespmem:s22], [sflag:$0x4], $0x800, s14, s26, $0x38;
	[tilespmem:$0xA200] =	vst v63  }
0x67: {  	s6 =	simm.s32 @!p0 $0x3  }
0x68: {  	_ =	swait.ge @!p0 [sflag:s6], $0x2000  }
0x69: {  	[sflag:s6] =	ssyncset.done @!p0 $0x0  }
0x6a: {  	[sflag:s6] =	ssyncadd.s32 @!p0 $0xFFFFE000  }
0x6b: {  	_ =	swait.ge @!p0 [sflag:s6], $0x1000  }
0x6c: {  	[sflag:s6] =	ssyncset.done @!p0 $0x0  }
0x6d: {  	[sflag:s6] =	ssyncadd.s32 @!p0 $0xFFFFF000  }
0x6e: {  	_ =	swait.ge @!p0 [sflag:s6], $0x800  }
0x6f: {  	[sflag:s6] =	ssyncset.done @!p0 $0x0  }
0x70: {  	[sflag:s6] =	ssyncadd.s32 @!p0 $0xFFFFF800  }
0x71: {  	_ =	swait.ge @!p0 [sflag:s6], $0x800  }
0x72: {  	[sflag:s6] =	ssyncset.done @!p0 $0x0  }
0x73: {  	s7 =	simm.s32 @!p0 $0x3200;
	[sflag:s6] =	ssyncadd.s32 @!p0 $0xFFFFF800;
	s6 =	simm.s32 @!p0 $0x80  }
0x74: {  	[tilespmem:s7], [sflag:$0x1] =	stream.indirect.gather @!p0 [hbm4b:s3+s6], $0x40, s2, s6, $0xb8;
	[tilespmem:$0xA200] =	vst v63  }
0x75: {  	s7 =	simm.s32 @!p0 $0x5200  }
0x76: {  	[tilespmem:s7], [sflag:$0x1] =	stream.indirect.gather @!p0 [hbm4b:s4+s6], $0x20, s1, s6, $0xb8;
	[tilespmem:$0xA200] =	vst v63  }
0x77: {  	s8 =	simm.s32 @!p0 $0x6200;
	s7 =	simm.s32 @!p0 $0x0  }
0x78: {  	[tilespmem:s8], [sflag:$0x1] =	stream.linear.gather @!p0 [hbm4b:s11+s7], $0x800, $0x38;
	[tilespmem:$0xA200] =	vst v63  }
0x79: {  	s8 =	simm.s32 @!p0 $0x4  }
0x7a: {  	_ =	swait.ge @!p0 [sflag:s8], $0x2000  }
0x7b: {  	[sflag:s8] =	ssyncset.done @!p0 $0x0  }
0x7c: {  	[sflag:s8] =	ssyncadd.s32 @!p0 $0xFFFFE000  }
0x7d: {  	_ =	swait.ge @!p0 [sflag:s8], $0x1000  }
0x7e: {  	[sflag:s8] =	ssyncset.done @!p0 $0x0  }
0x7f: {  	[sflag:s8] =	ssyncadd.s32 @!p0 $0xFFFFF000  }
0x80: {  	_ =	swait.ge @!p0 [sflag:s8], $0x800  }
0x81: {  	[sflag:s8] =	ssyncset.done @!p0 $0x0  }
0x82: {  	s0 =	sadd.s32 @!p0 $0x1000, s0;
	[sflag:s8] =	ssyncadd.s32 @!p0 $0xFFFFF800  }
0x83: {  	p1 =	sne.s32 @!p0 s0, $0x19000;
	_ =	swait.ge @!p0 [sflag:s8], $0x800  }
0x84: {  	p1 =	por p0, !p1;
	[sflag:s8] =	ssyncset.done @!p0 $0x0  }
0x85: {  	s5 =	simm.s32 @!p0 $0x6A00;
	[sflag:s8] =	ssyncadd.s32 @!p0 $0xFFFFF800;
	s8 =	sadd.s32 @!p0 $0x80, s2  }
0x86: {  	[tilespmem:s5], [sflag:$0x2] =	stream.indirect.gather @!p0 [hbm4b:s3+s6], $0x40, s8, s6, $0xb8;
	[tilespmem:$0xA200] =	vst v63  }
.Ltmp1:
0x87: {  	s5 =	sadd.s32 @!p0 $0x80, s1;
	s8 =	simm.s32 @!p0 $0x8A00;
	(pc) =	sbr.rel @!p1 .LBB2_4-.Ltmp1, $4  }
0x88: {  	[tilespmem:s8], [sflag:$0x2] =	stream.indirect.gather @!p0 [hbm4b:s4+s6], $0x20, s5, s6, $0xb8;
	[tilespmem:$0xA200] =	vst v63  }
0x89: {  	s11 =	sadd.s32 @!p0 $0x200, s11;
	s5 =	simm.s32 @!p0 $0x9A00  }
0x8a: {  	[tilespmem:s5], [sflag:$0x2] =	stream.linear.gather @!p0 [hbm4b:s12+s7], $0x800, $0x38;
	[tilespmem:$0xA200] =	vst v63  }
0x8b: {  	s2 =	sadd.s32 @!p0 $0x100, s2;
	s1 =	sadd.s32 @!p0 $0x100, s1;
	s12 =	sadd.s32 @!p0 $0x200, s12  }
0x8c: {  	_ =	swait.ge [sflag:s29], $0x2000  }
0x8d: {  	[sflag:s29] =	ssyncset.done $0x0  }
0x8e: {  	[sflag:s29] =	ssyncadd.s32 $0xFFFFE000  }
0x8f: {  	_ =	swait.ge [sflag:s29], $0x1000  }
0x90: {  	[sflag:s29] =	ssyncset.done $0x0  }
0x91: {  	[sflag:s29] =	ssyncadd.s32 $0xFFFFF000  }
0x92: {  	_ =	swait.ge [sflag:s29], $0x800  }
0x93: {  	[sflag:s29] =	ssyncset.done $0x0  }
0x94: {  	[sflag:s29] =	ssyncadd.s32 $0xFFFFF800  }
0x95: {  	_ =	swait.ge [sflag:s29], $0x800  }
0x96: {  	[sflag:s29] =	ssyncset.done $0x0  }
0x97: {  	[sflag:s29] =	ssyncadd.s32 $0xFFFFF800  }
0x98: {  	_ =	swait.ge [sflag:s30], $0x2000  }
0x99: {  	[sflag:s30] =	ssyncset.done $0x0  }
0x9a: {  	[sflag:s30] =	ssyncadd.s32 $0xFFFFE000  }
0x9b: {  	_ =	swait.ge [sflag:s30], $0x1000  }
0x9c: {  	[sflag:s30] =	ssyncset.done $0x0  }
0x9d: {  	[sflag:s30] =	ssyncadd.s32 $0xFFFFF000  }
0x9e: {  	_ =	swait.ge [sflag:s30], $0x800  }
0x9f: {  	[sflag:s30] =	ssyncset.done $0x0  }
0xa0: {  	[sflag:s30] =	ssyncadd.s32 $0xFFFFF800  }
0xa1: {  	_ =	swait.ge [sflag:s30], $0x800  }
0xa2: {  	s31 =	sadd.s32 $0x1, s31;
	s0 =	rddreg [dreg:$0x5]  }
0xa3: {  	p0 =	sne.s32 s31, s0  }
.Ltmp2:
0xa4: {  	_ = 	snop;
	(pc) =	sbr.rel @p0 .LBB2_1-.Ltmp2, $3  }
0xa5: {  	_ =	sdelay $0x1  }
0xa6: {  	[sflag:s30] =	ssyncset.done $0x0  }
0xa7: {  	[sflag:s30] =	ssyncadd.s32 $0xFFFFF800  }
0xa8: {  	_ =	sfence.sel $0x180000  }
0xa9: {  	[bflag:$0x0] =	sbarrier.arrive $0xFFFF  }
0xaa: {  	_ =	strace $0x90000047  }
0xab: {  	s0 =	stileid.u32;
	[bflag:$0x2] =	sbarrier.arrive $0xFFFF  }
0xac: {  	p0 =	sne.s32 s0, $0x0;
	s0 =	rddreg [dreg:$0x1]  }
0xad: {  	s0 =	sadd.s32 @!p0 $0x100000, s0  }
0xae: {  	[sflag:s0] =	ssyncadd.tile.s32 @!p0 $0x1;
	_ =	shalt  }
.Lfunc_end2:
_tile_overlayer_lowered:
.L_overlay_start_2:
0xaf: {  	(tag) =	ssettag $0x2  }
0xb0: {  	s0 =	rddreg [dreg:$0x0];
	s2 =	stileid.u32  }
0xb1: {  	s1 =	rddreg [dreg:$0x1];
	p0 =	sne.s32 s2, $0x0  }
0xb2: {  	s3 =	rddreg [dreg:$0x2];
	[bflag:$0x3] =	sbarrier.arrive $0xFFFF;
	s2 =	simm.s32 @!p0 $0x1C05  }
0xb3: {  	[timem:s3], [sflag:s2] =	dma.local @!p0 [hbm:s0], s1  }
0xb4: {  	s0 =	simm.s32 @!p0 $0x5  }
0xb5: {  	_ =	swait.ge @!p0 [sflag:s0], s1  }
0xb6: {  	s1 =	ssub.s32 @!p0 $0x0, s1;
	[sflag:s0] =	ssyncset.done @!p0 $0x0  }
0xb7: {  	[sflag:s0] =	ssyncadd.s32 @!p0 s1  }
0xb8: {  	[bflag:$0x3] =	sbarrier.arrive $0xFFFF  }
0xb9: {  	_ =	shalt  }

// kernel: sparse-core-data-format-call.cloned.1.call-start
scs
called_computation_lowered:
.L_overlay_start_0:
0x0: {  	s2 =	sld [smem:$0x3FD9]  }
0x1: {  	s3 =	sld [smem:$0x3FFE];
	_ =	sdelay $0x1  }
0x2: {  	s1 =	srdreg.scid  }
0x3: {  	s0 =	sand.u32 $0x1, s1  }
0x4: {  	s18 =	sshll.u32 s0, $0xA;
	s2 =	sadd.s32 s3, s2  }
0x5: {  	s2 =	sadd.s32 s2, s18  }
0x6: {  	[smem:$0x3FBE] =	sst s2  }
0x7: {  	_ = 	snop  }
0x8: {  	s2 =	sld [smem:$0x3FD0];
	(tm) =	ssettm $0x1  }
0x9: {  	s19 =	sld [smem:$0x3FFB];
	_ =	sdelay $0x3  }
0xa: {  	_ =	strace s19  }
0xb: {  	s3 =	sld [smem:$0x3FFC];
	_ =	sdelay $0x3  }
0xc: {  	_ =	strace s3  }
0xd: {  	s3 =	sld [smem:$0x3FFD];
	_ =	sdelay $0x3  }
0xe: {  	_ =	strace s3  }
0xf: {  	_ =	strace $0x8FFFFFFF  }
0x10: {  	s20 =	sld [smem:$0x3FDB];
	_ =	sdelay $0x1  }
0x11: {  	s4 =	simm.s32 $_scs_section_size  }
0x12: {  	s5 =	simm.s32 $_size__tile_overlayer_lowered;
	s6 =	simm.s32 $_tile_overlayer_lowered  }
0x13: {  	s23 =	simm.s32 $0x1BFF;
	s22 =	sshll.u32 s6, $0x1;
	s3 =	sadd.s32 s4, s20  }
0x14: {  	s7 =	simm.s32 $0x0;
	s21 =	sshll.u32 s5, $0x1;
	s5 =	sadd.s32 s22, s3  }
0x15: {  	[timem:s7], [sflag:s23] =	dma.local [hbm:s5], s21  }
0x16: {  	_ =	swait.ge [sflag:s23], s21  }
0x17: {  	s4 =	ssub.s32 $0x0, s21;
	[sflag:s23] =	ssyncset.done $0x0  }
0x18: {  	[sflag:s23] =	ssyncadd.s32 s4;
	_ =	sdelay $0x1  }
0x19: {  	s24 =	simm.s32 $0x1B8B  }
0x1a: {  	_ =	swait.ge [sflag:s24], $0x1  }
0x1b: {  	[sflag:s24] =	ssyncset.done $0x0  }
0x1c: {  	s26 =	simm.s32 $0x1B8E;
	s25 =	sld [smem:$0x3FFE];
	[sflag:s24] =	ssyncadd.s32 $0xFFFFFFFF  }
0x1d: {  	s27 =	simm.s32 $execute0_lowered;
	[smem:$0x3FD2] =	sst s26  }
0x1e: {  	s5 =	sshll.u32 s27, $0x1;
	_ =	strace $0x80000049;
	[dreg:$0x1] =	wrdreg $0xFFFFFFFF  }
0x1f: {  	s28 =	simm.s32 $_size_execute0_lowered;
	s3 =	sadd.s32 s3, s5;
	[dreg:$0x0] =	wrdreg $0x0  }
0x20: {  	s5 =	sshll.u32 s28, $0x1;
	[dreg:$0x2] =	wrdreg s3  }
0x21: {  	[dreg:$0x3] =	wrdreg s5  }
0x22: {  	[dreg:$0x4] =	wrdreg $0xC0  }
0x23: {  	_ =	task [dreg:s7], $0x5FFFF  }
0x24: {  	[dreg:$0x1] =	wrdreg $0xFFFFFFFF  }
0x25: {  	[dreg:$0x0] =	wrdreg $0x60  }
0x26: {  	[dreg:$0x2] =	wrdreg s25  }
0x27: {  	[dreg:$0x3] =	wrdreg s2  }
0x28: {  	[dreg:$0x4] =	wrdreg $0x9  }
0x29: {  	_ =	task.clear_ibuf [dreg:s7], $0x5FFFF;
	_ =	strace $0x90000049  }
0x2a: {  	s29 =	simm.s32 $0x9;
	_ =	strace $0x8000004B  }
0x2b: {  	_ =	swait.ge [sflag:s29], $0x1  }
0x2c: {  	[sflag:s29] =	ssyncadd.s32 $0xFFFFFFFF  }
0x2d: {  	_ =	strace $0x9000004B  }
0x2e: {  	_ =	sfence  }
0x2f: {  	s30 =	sld [smem:$0x0];
	_ =	sdelay $0x2  }
0x30: {  	s31 =	sshll.u32 s1, $0xD;
	s1 =	sshrl.u32 s1, $0x2  }
0x31: {  	s3 =	sand.u32 $0x4000, s31;
	s1 =	sadd.s32 s1, s30  }
0x32: {  	s0 =	sor.u32 s3, s0;
	s1 =	sshll.u32 s1, $0x11  }
0x33: {  	s0 =	sor.u32 s1, s0  }
0x34: {  	s0 =	sadd.s32 $0x8F2B, s0  }
0x35: {  	[sflag:s0] =	ssyncadd.remote.s32 $0x1  }
0x36: {  	_ =	sfence.sel $0xFFFF  }
0x37: {  	[dreg:$0x0] =	wrdreg $0xFFFFFFFF;
	(pc) =	sbr.abs _section_cstart, $3  }
0x38: {  	[dreg:$0x1] =	wrdreg $0xFFFFFFFF  }
0x39: {  	_ =	task.clear_ibuf [dreg:s7], $0x2FFFF;
	_ =	strace $0x9FFFFFFF  }
0x3a: {  	(tm) =	ssettm $0x7FFFFFFF  }
0x3b: {  	_ =	shalt  }
tec
execute0_lowered:
.L_overlay_start_1:
0x0: {  	(tag) =	ssettag $0x1  }
0x1: {  	s0 =	srdreg.scid  }
0x2: {  	s1 =	sshll.u32 s0, $0x4  }
0x3: {  	s0 =	stileid.u32;
	s1 =	sand.u32 $0x10, s1  }
0x4: {  	s1 =	sor.u32 s0, s1  }
0x5: {  	s6 =	rddreg [dreg:$0x0];
	s4 =	simm.s32 $0x1;
	s2 =	sshll.u32 s1, $0x6  }
0x6: {  	s7 =	simm.s32 $0x2;
	s13 =	simm.s32 $0x0;
	s1 =	ssub.s32 $0x1000, s2  }
0x7: {  	s8 =	simm.s32 $0x2000;
	s9 =	simm.s32 $0x80000;
	s3 =	sand.u32 $0x7C0, s1  }
0x8: {  	s14 =	simm.s32 $0x0;
	s5 =	sshrl.u32 s1, $0xB;
	p0 =	sne.s32 s3, $0x0  }
.Ltmp0:
0x9: {  	s1 =	rddreg [dreg:$0x2];
	s4 =	simm.s32 @!p0 $0x0;
	(pc) =	sbr.rel .LBB1_1-.Ltmp0, $4  }
0xa: {  	s10 =	simm.s32 $0x0;
	s3 =	rddreg [dreg:$0x1];
	s5 =	sadd.s32 s4, s5  }
0xb: {  	_ =	strace $0x8000004A;
	s4 =	simm.s32 $0x1;
	s5 =	smul.u32 $0x19, s5  }
0xc: {  	s12 =	simm.s32 $0x0;
	s6 =	sadd.s32 $0x1A00, s6;
	[sflag:s4] =	ssyncpa.u1 $0x0  }
0xd: {  	s11 =	smov.u32 s2;
	[sflag:s7] =	ssyncpa.u1 $0x0;
	s7 =	sadd.s32 $0x1, s5  }
.LBB1_7:
0xe: {  	s15 =	sadd.s32 $0x2, s10  }
0xf: {  	s13 =	sadd.s32 $0x800, s11;
	s17 =	smov.u32 s11;
	p1 =	sgt.s32 s15, $0x31  }
0x10: {  	s17 =	smov.u32 @p1 s13  }
0x11: {  	s15 =	simm.s32 @p1 $0x0;
	p1 =	sgt.s32 s17, $0xFFF  }
0x12: {  	s17 =	smov.u32 @p1 s2;
	p1 =	sne.s32 s12, s7  }
.Ltmp1:
0x13: {  	p0 =	slt.u32 s12, $0x2;
	(pc) =	sbr.rel @!p1 .LBB1_8-.Ltmp1, $4  }
0x14: {  	s16 =	simm.s32 @!p0 $0x2  }
0x15: {  	s14 =	smov.u32 s11;
	_ =	swait.ge @!p0 [sflag:s16], $0x4000  }
0x16: {  	s13 =	smov.u32 s10;
	[sflag:s16] =	ssyncset.done @!p0 $0x0;
	s10 =	smov.u32 s15  }
0x17: {  	s12 =	sadd.s32 $0x1, s12;
	[sflag:s16] =	ssyncadd.s32 @!p0 $0xFFFFC000;
	s11 =	smov.u32 s17  }
.LBB1_1:
0x18: {  	p0 =	sge.u32 s12, s5  }
0x19: {  	s15 =	sand.u32 @!p0 $0x1FFFFFF, s10  }
0x1a: {  	s16 =	smulhi.u32 @!p0 $0x4924925, s15;
	_ =	sdelay $0x1  }
0x1b: {  	s16 =	smul.u32 @!p0 $0x38, s16  }
0x1c: {  	s17 =	sxor.u32 @!p0 $0xFFFFFFFF, s12;
	s18 =	smul.u32 @!p0 $0x380, s11  }
0x1d: {  	s31 =	sadd.s32 $0xFFFFFFFF, s12;
	s17 =	sshll.u32 @!p0 s17, $0xE;
	s15 =	ssub.s32 @!p0 s15, s16  }
0x1e: {  	s16 =	sand.u32 @!p0 $0x4000, s17;
	s17 =	sadd.s32 @!p0 s6, s18;
	s15 =	sshll.u32 @!p0 s15, $0x4  }
0x1f: {  	s18 =	simm.s32 @!p0 $0x1C00;
	s15 =	sadd.s32 @!p0 s15, s17;
	s17 =	simm.s32 @!p0 $0x100  }
0x20: {  	[tilespmem:s16], [sflag:$0x1] =	stream.strided.gather @!p0 [hbm4b:s15+s17], $0x4000, s18, s17, $0x38;
	[tilespmem:$0x10000] =	vst v63  }
0x21: {  	p0 =	sge.u32 s31, s5  }
.Ltmp2:
0x22: {  	_ = 	snop;
	(pc) =	sbr.rel @p0 .LBB1_7-.Ltmp2, $1  }
0x23: {  	_ =	sdelay $0x3  }
0x24: {  	_ =	swait.ge [sflag:s4], $0x4000;
	s15 =	sshll.u32 s12, $0xE  }
0x25: {  	[sflag:s4] =	ssyncset.done $0x0;
	s16 =	sand.u32 $0x4000, s15  }
0x26: {  	s17 =	simm.s32 $0x0;
	[sflag:s4] =	ssyncadd.s32 $0xFFFFC000;
	s15 =	sor.u32 $0x8000, s16  }
.LBB1_3:
0x27: {  	s18 =	sshll.u32 s17, $0x8  }
0x28: {  	s18 =	sand.u32 $0x3FFFFF00, s18  }
0x29: {  	s19 =	sshll.u32 s17, $0x7;
	s18 =	sadd.s32 s18, s16  }
0x2a: {  	s19 =	sand.u32 $0x3FFFFF80, s19;
	v0 =	vmov s18  }
0x2b: {  	s19 =	sadd.s32 s19, s15  }
0x2c: {  	p0 =	por $0x1, $0x1;
	v1 =	vmov s19;
	s18 =	simm.s32 $0x0  }
.LBB1_4:
0x2d: {  	s19 =	sshll.u32 s18, $0x7  }
0x2e: {  	s19 =	sand.u32 $0x3FFFFF80, s19  }
0x2f: {  	v2 =	vld.idx.msk [tilespmem:v0+s19+$0x0 ss:$0x1], $0xffff  }
0x30: {  	v3 =	vld.idx.msk [tilespmem:v0+s19+$0x10 ss:$0x1], $0xffff  }
0x31: {  	v4 =	vld.idx.msk [tilespmem:v0+s19+$0x20 ss:$0x1], $0xffff  }
0x32: {  	s31 =	sshll.u32 s18, $0xD;
	v5 =	vld.idx.msk [tilespmem:v0+s19+$0x30 ss:$0x1], $0xffff  }
0x33: {  	s18 =	sand.u32 $0x3FFFE000, s31;
	v6 =	vld.idx.msk [tilespmem:v0+s19+$0x40 ss:$0x1], $0xffff  }
0x34: {  	v63 =	vld.idx.msk [tilespmem:v0+s19+$0x70 ss:$0x1], $0xffff;
	[tilespmem:v1+s18+$0x0 ss:$0x1] =	vst.idx.msk $0xffff, v2  }
0x35: {  	v2 =	vld.idx.msk [tilespmem:v0+s19+$0x50 ss:$0x1], $0xffff;
	[tilespmem:v1+s18+$0x10 ss:$0x1] =	vst.idx.msk $0xffff, v3  }
0x36: {  	p1 =	por p0, p0;
	v3 =	vld.idx.msk [tilespmem:v0+s19+$0x60 ss:$0x1], $0xffff;
	[tilespmem:v1+s18+$0x20 ss:$0x1] =	vst.idx.msk $0xffff, v4  }
.Ltmp3:
0x37: {  	[tilespmem:v1+s18+$0x30 ss:$0x1] =	vst.idx.msk $0xffff, v5;
	(pc) =	sbr.rel @p1 .LBB1_4-.Ltmp3, $4  }
0x38: {  	[tilespmem:v1+s18+$0x40 ss:$0x1] =	vst.idx.msk $0xffff, v6  }
0x39: {  	[tilespmem:v1+s18+$0x70 ss:$0x1] =	vst.idx.msk $0xffff, v63  }
0x3a: {  	[tilespmem:v1+s18+$0x50 ss:$0x1] =	vst.idx.msk $0xffff, v2  }
0x3b: {  	p0 =	por $0x0, $0x0;
	[tilespmem:v1+s18+$0x60 ss:$0x1] =	vst.idx.msk $0xffff, v3;
	s18 =	simm.s32 $0x1  }
0x3c: {  	s17 =	sadd.s32 $0x1, s17  }
0x3d: {  	p0 =	sne.s32 s17, $0x40  }
.Ltmp4:
0x3e: {  	_ = 	snop;
	(pc) =	sbr.rel @p0 .LBB1_3-.Ltmp4, $1  }
0x3f: {  	_ =	sdelay $0x3  }
.Ltmp5:
0x40: {  	s14 =	sshll.u32 s14, $0x4;
	(pc) =	sbr.rel .LBB1_7-.Ltmp5, $4  }
0x41: {  	s14 =	sand.u32 $0xFFF0, s14  }
0x42: {  	s13 =	sshll.u32 s13, $0x10;
	s14 =	sadd.s32 s3, s14  }
0x43: {  	s13 =	sadd.s32 s13, s14  }
0x44: {  	[hbm4b:s13+s8] =	stream.strided.scatter [tilespmem:s15], [sflag:$0x2], $0x4000, s9, s8, $0x38;
	[tilespmem:$0x10000] =	vst v63  }
.LBB1_8:
0x45: {  	_ =	sfence.sel $0x180000  }
0x46: {  	s2 =	simm.s32 $0x1;
	[bflag:$0x0] =	sbarrier.arrive $0xFFFF  }
0x47: {  	s31 =	simm.s32 $0x2;
	[sflag:s2] =	ssyncpa.u1 $0x1  }
0x48: {  	[sflag:s31] =	ssyncpa.u1 $0x1  }
0x49: {  	p0 =	sne.s32 s0, $0x0;
	_ =	strace $0x9000004A  }
0x4a: {  	s0 =	sadd.s32 @!p0 $0x100000, s1;
	[bflag:$0x2] =	sbarrier.arrive $0xFFFF  }
0x4b: {  	[sflag:s0] =	ssyncadd.tile.s32 @!p0 $0x1;
	_ =	shalt  }
.Lfunc_end1:
_tile_overlayer_lowered:
.L_overlay_start_2:
0x4c: {  	(tag) =	ssettag $0x2  }
0x4d: {  	s0 =	rddreg [dreg:$0x0];
	s2 =	stileid.u32  }
0x4e: {  	s1 =	rddreg [dreg:$0x1];
	p0 =	sne.s32 s2, $0x0  }
0x4f: {  	s3 =	rddreg [dreg:$0x2];
	[bflag:$0x3] =	sbarrier.arrive $0xFFFF;
	s2 =	simm.s32 @!p0 $0x1C01  }
0x50: {  	[timem:s3], [sflag:s2] =	dma.local @!p0 [hbm:s0], s1  }
0x51: {  	s0 =	simm.s32 @!p0 $0x1  }
0x52: {  	_ =	swait.ge @!p0 [sflag:s0], s1  }
0x53: {  	s1 =	ssub.s32 @!p0 $0x0, s1;
	[sflag:s0] =	ssyncset.done @!p0 $0x0  }
0x54: {  	[sflag:s0] =	ssyncadd.s32 @!p0 s1  }
0x55: {  	[bflag:$0x3] =	sbarrier.arrive $0xFFFF  }
0x56: {  	_ =	shalt  }

</sc_bundles>
